<compile_context>
chip_gen: v7x
topology: tpu7x:2x2x1
jax: 0.10.2.dev20260603
libtpu: 0.0.44.dev20260713+nightly
codegen_flags: <defaults>
</compile_context>

<pallas_src>
import functools
import math

import jax
import jax.numpy as jnp
from jax import lax
from jax.experimental import pallas as pl
from jax.experimental.pallas import tpu as pltpu
from jax.experimental.pallas import tpu_sc as plsc

D_MODEL = 128
SCALE = math.sqrt(float(D_MODEL))
NUM_CORES = 2
NUM_SUBCORES = 16
NW = NUM_CORES * NUM_SUBCORES
CHUNK = 128
LANES = 16
NBUF = 5


@functools.partial(jax.jit, static_argnames=("n_chunks",))
def _lookup(idx, table, *, n_chunks):
    assert n_chunks % NBUF == 0
    mesh = plsc.VectorSubcoreMesh(core_axis_name="c", subcore_axis_name="s")
    total_rows = NW * n_chunks * CHUNK

    @functools.partial(
        pl.kernel,
        mesh=mesh,
        out_type=jax.ShapeDtypeStruct((total_rows, D_MODEL), jnp.float32),
        scratch_types=[
            pltpu.VMEM((n_chunks, CHUNK), jnp.int32),
        ]
        + [pltpu.VMEM((CHUNK, D_MODEL), jnp.float32)] * NBUF
        + [pltpu.SemaphoreType.DMA] * (2 * NBUF),
    )
    def k(idx_hbm, table_hbm, out_hbm, idx_v, *bufs_and_sems):
        rows = bufs_and_sems[:NBUF]
        gsem = bufs_and_sems[NBUF : 2 * NBUF]
        ssem = bufs_and_sems[2 * NBUF : 3 * NBUF]
        wid = lax.axis_index("s") * NUM_CORES + lax.axis_index("c")
        pltpu.sync_copy(idx_hbm.at[wid], idx_v)
        out_base = wid * n_chunks
        DEPTH = NBUF - 2

        for t in range(DEPTH):
            pltpu.async_copy(table_hbm.at[idx_v.at[t]], rows[t], gsem[t])

        def steady(g, carry):
            for b in range(NBUF):
                j = NBUF * g + b

                nb = (b + DEPTH) % NBUF

                @pl.when(j + DEPTH < n_chunks)
                def _():
                    @pl.when(j + DEPTH >= NBUF)
                    def _():
                        pltpu.make_async_copy(
                            rows[nb], out_hbm.at[pl.ds(0, CHUNK)], ssem[nb]
                        ).wait()

                    pltpu.async_copy(
                        table_hbm.at[idx_v.at[j + DEPTH]], rows[nb], gsem[nb]
                    )

                pltpu.make_async_copy(
                    table_hbm.at[idx_v.at[j]], rows[b], gsem[b]
                ).wait()

                @plsc.parallel_loop(0, CHUNK, unroll=1)
                def scale_rows(r, _b=b):
                    for c in range(D_MODEL // LANES):
                        sl = pl.ds(c * LANES, LANES)
                        rows[_b][r, sl] = rows[_b][r, sl] * SCALE

                pltpu.async_copy(
                    rows[b],
                    out_hbm.at[pl.ds((out_base + j) * CHUNK, CHUNK)],
                    ssem[b],
                )
            return carry

        lax.fori_loop(0, n_chunks // NBUF, steady, 0)

        for b in range(NBUF):
            pltpu.make_async_copy(
                rows[b], out_hbm.at[pl.ds(0, CHUNK)], ssem[b]
            ).wait()

    return k(idx, table)


def kernel(x, table):
    b0, b1 = x.shape
    total = b0 * b1
    n_chunks = total // (NW * CHUNK)
    idx = x.astype(jnp.int32).T.reshape(NW, n_chunks, CHUNK)
    out = _lookup(idx, table, n_chunks=n_chunks)
    return out.reshape(b1, b0, D_MODEL).transpose(1, 0, 2)

# --- scband reference (transcript-rebuilt; emitter-appended) ---
"""Pipeline reference for scband-embeddings-20255065768621 (READ-ONLY COPY).

The authoritative reference and input builder live on the scoring server;
editing this copy changes nothing except your own understanding.
"""

import jax, jax.numpy as jnp
import numpy as np
import math

D_MODEL = 128
VOCAB = 100000

def setup_inputs(seed: int = 0) -> dict:
    key = jax.random.key(seed)
    k1, k2 = jax.random.split(key)
    x = jax.random.randint(k1, (4096, 50), 0, VOCAB, dtype=jnp.int64)
    table = jax.random.normal(k2, (VOCAB, D_MODEL), dtype=jnp.float32)
    return {"x": x, "table": table}

def reference(x, table):
    emb = jnp.take(table, x, axis=0)
    return emb * math.sqrt(D_MODEL)

if __name__ == "__main__":
    import jax
    _d = setup_inputs()
    print(jax.jit(kernel)(*tuple(_d.values())))

</pallas_src>

<mosaic_0001>
#map = affine_map<(d0, d1) -> (0, 0, 0)>
#map1 = affine_map<(d0, d1) -> (0, 0)>
module attributes {stable_mosaic.version = 14 : i64} {
  func.func @k(%arg0: i32, %arg1: i32, %arg2: memref<32x50x128xi32, #tpu.memory_space<hbm>>, %arg3: memref<100000x128xf32, #tpu.memory_space<hbm>>, %arg4: memref<204800x128xf32, #tpu.memory_space<hbm>>, %arg5: memref<50x128xi32, #tpu.memory_space<vmem>>, %arg6: memref<128x128xf32, #tpu.memory_space<vmem>>, %arg7: memref<128x128xf32, #tpu.memory_space<vmem>>, %arg8: memref<128x128xf32, #tpu.memory_space<vmem>>, %arg9: memref<128x128xf32, #tpu.memory_space<vmem>>, %arg10: memref<128x128xf32, #tpu.memory_space<vmem>>, %arg11: memref<!tpu.dma_semaphore, #tpu.memory_space<semaphore_mem>>, %arg12: memref<!tpu.dma_semaphore, #tpu.memory_space<semaphore_mem>>, %arg13: memref<!tpu.dma_semaphore, #tpu.memory_space<semaphore_mem>>, %arg14: memref<!tpu.dma_semaphore, #tpu.memory_space<semaphore_mem>>, %arg15: memref<!tpu.dma_semaphore, #tpu.memory_space<semaphore_mem>>, %arg16: memref<!tpu.dma_semaphore, #tpu.memory_space<semaphore_mem>>, %arg17: memref<!tpu.dma_semaphore, #tpu.memory_space<semaphore_mem>>, %arg18: memref<!tpu.dma_semaphore, #tpu.memory_space<semaphore_mem>>, %arg19: memref<!tpu.dma_semaphore, #tpu.memory_space<semaphore_mem>>, %arg20: memref<!tpu.dma_semaphore, #tpu.memory_space<semaphore_mem>>) attributes {dimension_semantics = [#tpu.dimension_semantics<core_parallel>, #tpu.dimension_semantics<subcore_parallel>], iteration_bounds = array<i64: 2, 16>, scalar_prefetch = 0 : i64, scratch_operands = 16 : i64, tpu.core_type = #tpu.core_type<sc_vector_subcore>, window_params = [{transform_indices = #map}, {transform_indices = #map1}, {transform_indices = #map1}]} {
    %mul3A = arith.constant 2 : i32
    %mul3A_0 = arith.muli %arg1, %mul3A : i32
    %add3A = arith.addi %mul3A_0, %arg0 : i32
    "tpu.region"() ({
      %run_scoped3A = tpu.sem_alloc : memref<!tpu.dma_semaphore, #tpu.memory_space<semaphore_mem>>
      %dma_start3A_57 = arith.constant 0 : i32
      %dma_start3A_58 = arith.constant 0 : i32
      %dma_start3A_59 = tpu.memref_slice %arg2[%add3A, %dma_start3A_57, %dma_start3A_58] : memref<32x50x128xi32, #tpu.memory_space<hbm>> -> memref<1x50x128xi32, #tpu.memory_space<hbm>>
      %dma_start3A_60 = tpu.memref_squeeze %dma_start3A_59 : memref<1x50x128xi32, #tpu.memory_space<hbm>> -> memref<50x128xi32, #tpu.memory_space<hbm>>
      %dma_start3A_61 = arith.constant 0 : i32
      %dma_start3A_62 = arith.constant 0 : i32
      %dma_start3A_63 = tpu.memref_slice %arg2[%add3A, %dma_start3A_61, %dma_start3A_62] : memref<32x50x128xi32, #tpu.memory_space<hbm>> -> memref<1x50x128xi32, #tpu.memory_space<hbm>>
      %dma_start3A_64 = tpu.memref_squeeze %dma_start3A_63 : memref<1x50x128xi32, #tpu.memory_space<hbm>> -> memref<50x128xi32, #tpu.memory_space<hbm>>
      tpu.enqueue_dma source(%dma_start3A_64 : memref<50x128xi32, #tpu.memory_space<hbm>>) target(%arg5 : memref<50x128xi32, #tpu.memory_space<vmem>>) target_semaphore(%run_scoped3A : memref<!tpu.dma_semaphore, #tpu.memory_space<semaphore_mem>>)
      %dma_wait3A_65 = arith.constant 0 : i32
      %dma_wait3A_66 = arith.constant 0 : i32
      %dma_wait3A_67 = tpu.memref_slice %arg2[%add3A, %dma_wait3A_65, %dma_wait3A_66] : memref<32x50x128xi32, #tpu.memory_space<hbm>> -> memref<1x50x128xi32, #tpu.memory_space<hbm>>
      %dma_wait3A_68 = tpu.memref_squeeze %dma_wait3A_67 : memref<1x50x128xi32, #tpu.memory_space<hbm>> -> memref<50x128xi32, #tpu.memory_space<hbm>>
      %dma_wait3A_69 = arith.constant 0 : i32
      %dma_wait3A_70 = arith.constant 0 : i32
      %dma_wait3A_71 = tpu.memref_slice %arg2[%add3A, %dma_wait3A_69, %dma_wait3A_70] : memref<32x50x128xi32, #tpu.memory_space<hbm>> -> memref<1x50x128xi32, #tpu.memory_space<hbm>>
      %dma_wait3A_72 = tpu.memref_squeeze %dma_wait3A_71 : memref<1x50x128xi32, #tpu.memory_space<hbm>> -> memref<50x128xi32, #tpu.memory_space<hbm>>
      tpu.wait_dma2 semaphore(%run_scoped3A : memref<!tpu.dma_semaphore, #tpu.memory_space<semaphore_mem>>) src(%dma_wait3A_72 : memref<50x128xi32, #tpu.memory_space<hbm>>) dst(%arg5 : memref<50x128xi32, #tpu.memory_space<vmem>>)
      tpu.yield
    }) : () -> ()
    %mul3A_1 = arith.constant 50 : i32
    %mul3A_2 = arith.muli %add3A, %mul3A_1 : i32
    %dma_start3A = arith.constant 0 : i32
    %dma_start3A_3 = arith.constant 0 : i32
    %dma_start3A_4 = tpu.memref_slice %arg5[%dma_start3A, %dma_start3A_3] : memref<50x128xi32, #tpu.memory_space<vmem>> -> memref<1x128xi32, #tpu.memory_space<vmem>>
    %dma_start3A_5 = tpu.memref_squeeze %dma_start3A_4 : memref<1x128xi32, #tpu.memory_space<vmem>> -> memref<128xi32, #tpu.memory_space<vmem>>
    %dma_start3A_6 = arith.constant 0 : i32
    %dma_start3A_7 = arith.constant 0 : i32
    %dma_start3A_8 = tpu.memref_slice %arg3[%dma_start3A_6, %dma_start3A_7] : memref<100000x128xf32, #tpu.memory_space<hbm>> -> memref<100000x128xf32, #tpu.memory_space<hbm>>
    tpu.enqueue_indirect_dma source(%dma_start3A_8 : memref<100000x128xf32, #tpu.memory_space<hbm>>) target(%arg6 : memref<128x128xf32, #tpu.memory_space<vmem>>) offsets(%dma_start3A_5 : memref<128xi32, #tpu.memory_space<vmem>>) semaphore(%arg11 : memref<!tpu.dma_semaphore, #tpu.memory_space<semaphore_mem>>)
    %dma_start3A_9 = arith.constant 1 : i32
    %dma_start3A_10 = arith.constant 0 : i32
    %dma_start3A_11 = tpu.memref_slice %arg5[%dma_start3A_9, %dma_start3A_10] : memref<50x128xi32, #tpu.memory_space<vmem>> -> memref<1x128xi32, #tpu.memory_space<vmem>>
    %dma_start3A_12 = tpu.memref_squeeze %dma_start3A_11 : memref<1x128xi32, #tpu.memory_space<vmem>> -> memref<128xi32, #tpu.memory_space<vmem>>
    %dma_start3A_13 = arith.constant 0 : i32
    %dma_start3A_14 = arith.constant 0 : i32
    %dma_start3A_15 = tpu.memref_slice %arg3[%dma_start3A_13, %dma_start3A_14] : memref<100000x128xf32, #tpu.memory_space<hbm>> -> memref<100000x128xf32, #tpu.memory_space<hbm>>
    tpu.enqueue_indirect_dma source(%dma_start3A_15 : memref<100000x128xf32, #tpu.memory_space<hbm>>) target(%arg7 : memref<128x128xf32, #tpu.memory_space<vmem>>) offsets(%dma_start3A_12 : memref<128xi32, #tpu.memory_space<vmem>>) semaphore(%arg12 : memref<!tpu.dma_semaphore, #tpu.memory_space<semaphore_mem>>)
    %dma_start3A_16 = arith.constant 2 : i32
    %dma_start3A_17 = arith.constant 0 : i32
    %dma_start3A_18 = tpu.memref_slice %arg5[%dma_start3A_16, %dma_start3A_17] : memref<50x128xi32, #tpu.memory_space<vmem>> -> memref<1x128xi32, #tpu.memory_space<vmem>>
    %dma_start3A_19 = tpu.memref_squeeze %dma_start3A_18 : memref<1x128xi32, #tpu.memory_space<vmem>> -> memref<128xi32, #tpu.memory_space<vmem>>
    %dma_start3A_20 = arith.constant 0 : i32
    %dma_start3A_21 = arith.constant 0 : i32
    %dma_start3A_22 = tpu.memref_slice %arg3[%dma_start3A_20, %dma_start3A_21] : memref<100000x128xf32, #tpu.memory_space<hbm>> -> memref<100000x128xf32, #tpu.memory_space<hbm>>
    tpu.enqueue_indirect_dma source(%dma_start3A_22 : memref<100000x128xf32, #tpu.memory_space<hbm>>) target(%arg8 : memref<128x128xf32, #tpu.memory_space<vmem>>) offsets(%dma_start3A_19 : memref<128xi32, #tpu.memory_space<vmem>>) semaphore(%arg13 : memref<!tpu.dma_semaphore, #tpu.memory_space<semaphore_mem>>)
    %scan3A = arith.constant 0 : i32
    %scan3A_23 = arith.constant 0 : i32
    %scan3A_24 = arith.constant 10 : i32
    %scan3A_25 = arith.addi %scan3A_23, %scan3A_24 : i32
    %scan3A_26 = arith.constant 1 : i32
    scf.for %scan3A_57 = %scan3A_23 to %scan3A_25 step %scan3A_26  : i32 {
      %mul3A_58 = arith.constant 5 : i32
      %mul3A_59 = arith.muli %mul3A_58, %scan3A_57 : i32
      %add3A_60 = arith.constant 0 : i32
      %add3A_61 = arith.addi %mul3A_59, %add3A_60 : i32
      %add3A_62 = arith.constant 3 : i32
      %add3A_63 = arith.addi %add3A_61, %add3A_62 : i32
      %lt3A = arith.constant 50 : i32
      %lt3A_64 = arith.cmpi slt, %add3A_63, %lt3A : i32
      %convert_element_type3A = arith.extui %lt3A_64 : i1 to i32
      %cond3A = arith.constant 0 : i32
      %cond3A_65 = arith.cmpi ne, %convert_element_type3A, %cond3A : i32
      scf.if %cond3A_65 {
        %add3A_189 = arith.constant 3 : i32
        %add3A_190 = arith.addi %add3A_61, %add3A_189 : i32
        %ge3A = arith.constant 5 : i32
        %ge3A_191 = arith.cmpi sge, %add3A_190, %ge3A : i32
        %convert_element_type3A_192 = arith.extui %ge3A_191 : i1 to i32
        %cond3A_193 = arith.constant 0 : i32
        %cond3A_194 = arith.cmpi ne, %convert_element_type3A_192, %cond3A_193 : i32
        scf.if %cond3A_194 {
          %dma_wait3A_203 = arith.constant 0 : i32
          %dma_wait3A_204 = arith.constant 0 : i32
          %dma_wait3A_205 = tpu.memref_slice %arg4[%dma_wait3A_203, %dma_wait3A_204] : memref<204800x128xf32, #tpu.memory_space<hbm>> -> memref<128x128xf32, #tpu.memory_space<hbm>>
          %dma_wait3A_206 = arith.constant 0 : i32
          %dma_wait3A_207 = arith.constant 0 : i32
          %dma_wait3A_208 = tpu.memref_slice %arg4[%dma_wait3A_206, %dma_wait3A_207] : memref<204800x128xf32, #tpu.memory_space<hbm>> -> memref<128x128xf32, #tpu.memory_space<hbm>>
          tpu.wait_dma2 semaphore(%arg19 : memref<!tpu.dma_semaphore, #tpu.memory_space<semaphore_mem>>) src(%arg9 : memref<128x128xf32, #tpu.memory_space<vmem>>) dst(%dma_wait3A_208 : memref<128x128xf32, #tpu.memory_space<hbm>>)
        } else {
        }
        %add3A_195 = arith.constant 3 : i32
        %add3A_196 = arith.addi %add3A_61, %add3A_195 : i32
        %dma_start3A_197 = arith.constant 0 : i32
        %dma_start3A_198 = tpu.memref_slice %arg5[%add3A_196, %dma_start3A_197] : memref<50x128xi32, #tpu.memory_space<vmem>> -> memref<1x128xi32, #tpu.memory_space<vmem>>
        %dma_start3A_199 = tpu.memref_squeeze %dma_start3A_198 : memref<1x128xi32, #tpu.memory_space<vmem>> -> memref<128xi32, #tpu.memory_space<vmem>>
        %dma_start3A_200 = arith.constant 0 : i32
        %dma_start3A_201 = arith.constant 0 : i32
        %dma_start3A_202 = tpu.memref_slice %arg3[%dma_start3A_200, %dma_start3A_201] : memref<100000x128xf32, #tpu.memory_space<hbm>> -> memref<100000x128xf32, #tpu.memory_space<hbm>>
        tpu.enqueue_indirect_dma source(%dma_start3A_202 : memref<100000x128xf32, #tpu.memory_space<hbm>>) target(%arg9 : memref<128x128xf32, #tpu.memory_space<vmem>>) offsets(%dma_start3A_199 : memref<128xi32, #tpu.memory_space<vmem>>) semaphore(%arg14 : memref<!tpu.dma_semaphore, #tpu.memory_space<semaphore_mem>>)
      } else {
      }
      %dma_wait3A_66 = arith.constant 0 : i32
      %dma_wait3A_67 = tpu.memref_slice %arg5[%add3A_61, %dma_wait3A_66] : memref<50x128xi32, #tpu.memory_space<vmem>> -> memref<1x128xi32, #tpu.memory_space<vmem>>
      %dma_wait3A_68 = tpu.memref_squeeze %dma_wait3A_67 : memref<1x128xi32, #tpu.memory_space<vmem>> -> memref<128xi32, #tpu.memory_space<vmem>>
      %dma_wait3A_69 = arith.constant 0 : i32
      %dma_wait3A_70 = arith.constant 0 : i32
      %dma_wait3A_71 = tpu.memref_slice %arg3[%dma_wait3A_69, %dma_wait3A_70] : memref<100000x128xf32, #tpu.memory_space<hbm>> -> memref<100000x128xf32, #tpu.memory_space<hbm>>
      tpu.wait_indirect_dma semaphore(%arg11 : memref<!tpu.dma_semaphore, #tpu.memory_space<semaphore_mem>>) src(%dma_wait3A_71 : memref<100000x128xf32, #tpu.memory_space<hbm>>) dst(%arg6 : memref<128x128xf32, #tpu.memory_space<vmem>>)
      %parallel_loop3A = arith.constant 0 : i32
      %parallel_loop3A_72 = arith.constant 128 : i32
      %parallel_loop3A_73 = arith.constant 1 : i32
      scf.for %parallel_loop3A_189 = %parallel_loop3A to %parallel_loop3A_72 step %parallel_loop3A_73  : i32 {
        %parallel_loop3A_190 = arith.index_cast %parallel_loop3A_189 : i32 to index
        %parallel_loop3A_191 = arith.constant 0 : index
        %parallel_loop3A_192 = tpu.vector_load %arg6[%parallel_loop3A_190, %parallel_loop3A_191] {strides = array<i32>} : memref<128x128xf32, #tpu.memory_space<vmem>>, vector<1x16xf32>,
        %parallel_loop3A_193 = vector.shape_cast %parallel_loop3A_192 : vector<1x16xf32> to vector<16xf32>
        %parallel_loop3A_194 = arith.constant 11.3137083 : f32
        %parallel_loop3A_195 = vector.broadcast %parallel_loop3A_194 : f32 to vector<16xf32>
        %parallel_loop3A_196 = arith.mulf %parallel_loop3A_193, %parallel_loop3A_195 : vector<16xf32>
        %parallel_loop3A_197 = arith.index_cast %parallel_loop3A_189 : i32 to index
        %parallel_loop3A_198 = arith.constant 0 : index
        %parallel_loop3A_199 = tpu.vector_load %arg6[%parallel_loop3A_197, %parallel_loop3A_198] {strides = array<i32>} : memref<128x128xf32, #tpu.memory_space<vmem>>, vector<1x16xf32>,
        %parallel_loop3A_200 = vector.shape_cast %parallel_loop3A_199 : vector<1x16xf32> to vector<16xf32>
        %parallel_loop3A_201 = vector.shape_cast %parallel_loop3A_196 : vector<16xf32> to vector<1x16xf32>
        tpu.vector_store %arg6[%parallel_loop3A_197, %parallel_loop3A_198], %parallel_loop3A_201 {strides = array<i32>} : memref<128x128xf32, #tpu.memory_space<vmem>>, vector<1x16xf32>,
        %parallel_loop3A_202 = arith.index_cast %parallel_loop3A_189 : i32 to index
        %parallel_loop3A_203 = arith.constant 16 : index
        %parallel_loop3A_204 = tpu.vector_load %arg6[%parallel_loop3A_202, %parallel_loop3A_203] {strides = array<i32>} : memref<128x128xf32, #tpu.memory_space<vmem>>, vector<1x16xf32>,
        %parallel_loop3A_205 = vector.shape_cast %parallel_loop3A_204 : vector<1x16xf32> to vector<16xf32>
        %parallel_loop3A_206 = arith.constant 11.3137083 : f32
        %parallel_loop3A_207 = vector.broadcast %parallel_loop3A_206 : f32 to vector<16xf32>
        %parallel_loop3A_208 = arith.mulf %parallel_loop3A_205, %parallel_loop3A_207 : vector<16xf32>
        %parallel_loop3A_209 = arith.index_cast %parallel_loop3A_189 : i32 to index
        %parallel_loop3A_210 = arith.constant 16 : index
        %parallel_loop3A_211 = tpu.vector_load %arg6[%parallel_loop3A_209, %parallel_loop3A_210] {strides = array<i32>} : memref<128x128xf32, #tpu.memory_space<vmem>>, vector<1x16xf32>,
        %parallel_loop3A_212 = vector.shape_cast %parallel_loop3A_211 : vector<1x16xf32> to vector<16xf32>
        %parallel_loop3A_213 = vector.shape_cast %parallel_loop3A_208 : vector<16xf32> to vector<1x16xf32>
        tpu.vector_store %arg6[%parallel_loop3A_209, %parallel_loop3A_210], %parallel_loop3A_213 {strides = array<i32>} : memref<128x128xf32, #tpu.memory_space<vmem>>, vector<1x16xf32>,
        %parallel_loop3A_214 = arith.index_cast %parallel_loop3A_189 : i32 to index
        %parallel_loop3A_215 = arith.constant 32 : index
        %parallel_loop3A_216 = tpu.vector_load %arg6[%parallel_loop3A_214, %parallel_loop3A_215] {strides = array<i32>} : memref<128x128xf32, #tpu.memory_space<vmem>>, vector<1x16xf32>,
        %parallel_loop3A_217 = vector.shape_cast %parallel_loop3A_216 : vector<1x16xf32> to vector<16xf32>
        %parallel_loop3A_218 = arith.constant 11.3137083 : f32
        %parallel_loop3A_219 = vector.broadcast %parallel_loop3A_218 : f32 to vector<16xf32>
        %parallel_loop3A_220 = arith.mulf %parallel_loop3A_217, %parallel_loop3A_219 : vector<16xf32>
        %parallel_loop3A_221 = arith.index_cast %parallel_loop3A_189 : i32 to index
        %parallel_loop3A_222 = arith.constant 32 : index
        %parallel_loop3A_223 = tpu.vector_load %arg6[%parallel_loop3A_221, %parallel_loop3A_222] {strides = array<i32>} : memref<128x128xf32, #tpu.memory_space<vmem>>, vector<1x16xf32>,
        %parallel_loop3A_224 = vector.shape_cast %parallel_loop3A_223 : vector<1x16xf32> to vector<16xf32>
        %parallel_loop3A_225 = vector.shape_cast %parallel_loop3A_220 : vector<16xf32> to vector<1x16xf32>
        tpu.vector_store %arg6[%parallel_loop3A_221, %parallel_loop3A_222], %parallel_loop3A_225 {strides = array<i32>} : memref<128x128xf32, #tpu.memory_space<vmem>>, vector<1x16xf32>,
        %parallel_loop3A_226 = arith.index_cast %parallel_loop3A_189 : i32 to index
        %parallel_loop3A_227 = arith.constant 48 : index
        %parallel_loop3A_228 = tpu.vector_load %arg6[%parallel_loop3A_226, %parallel_loop3A_227] {strides = array<i32>} : memref<128x128xf32, #tpu.memory_space<vmem>>, vector<1x16xf32>,
        %parallel_loop3A_229 = vector.shape_cast %parallel_loop3A_228 : vector<1x16xf32> to vector<16xf32>
        %parallel_loop3A_230 = arith.constant 11.3137083 : f32
        %parallel_loop3A_231 = vector.broadcast %parallel_loop3A_230 : f32 to vector<16xf32>
        %parallel_loop3A_232 = arith.mulf %parallel_loop3A_229, %parallel_loop3A_231 : vector<16xf32>
        %parallel_loop3A_233 = arith.index_cast %parallel_loop3A_189 : i32 to index
        %parallel_loop3A_234 = arith.constant 48 : index
        %parallel_loop3A_235 = tpu.vector_load %arg6[%parallel_loop3A_233, %parallel_loop3A_234] {strides = array<i32>} : memref<128x128xf32, #tpu.memory_space<vmem>>, vector<1x16xf32>,
        %parallel_loop3A_236 = vector.shape_cast %parallel_loop3A_235 : vector<1x16xf32> to vector<16xf32>
        %parallel_loop3A_237 = vector.shape_cast %parallel_loop3A_232 : vector<16xf32> to vector<1x16xf32>
        tpu.vector_store %arg6[%parallel_loop3A_233, %parallel_loop3A_234], %parallel_loop3A_237 {strides = array<i32>} : memref<128x128xf32, #tpu.memory_space<vmem>>, vector<1x16xf32>,
        %parallel_loop3A_238 = arith.index_cast %parallel_loop3A_189 : i32 to index
        %parallel_loop3A_239 = arith.constant 64 : index
        %parallel_loop3A_240 = tpu.vector_load %arg6[%parallel_loop3A_238, %parallel_loop3A_239] {strides = array<i32>} : memref<128x128xf32, #tpu.memory_space<vmem>>, vector<1x16xf32>,
        %parallel_loop3A_241 = vector.shape_cast %parallel_loop3A_240 : vector<1x16xf32> to vector<16xf32>
        %parallel_loop3A_242 = arith.constant 11.3137083 : f32
        %parallel_loop3A_243 = vector.broadcast %parallel_loop3A_242 : f32 to vector<16xf32>
        %parallel_loop3A_244 = arith.mulf %parallel_loop3A_241, %parallel_loop3A_243 : vector<16xf32>
        %parallel_loop3A_245 = arith.index_cast %parallel_loop3A_189 : i32 to index
        %parallel_loop3A_246 = arith.constant 64 : index
        %parallel_loop3A_247 = tpu.vector_load %arg6[%parallel_loop3A_245, %parallel_loop3A_246] {strides = array<i32>} : memref<128x128xf32, #tpu.memory_space<vmem>>, vector<1x16xf32>,
        %parallel_loop3A_248 = vector.shape_cast %parallel_loop3A_247 : vector<1x16xf32> to vector<16xf32>
        %parallel_loop3A_249 = vector.shape_cast %parallel_loop3A_244 : vector<16xf32> to vector<1x16xf32>
        tpu.vector_store %arg6[%parallel_loop3A_245, %parallel_loop3A_246], %parallel_loop3A_249 {strides = array<i32>} : memref<128x128xf32, #tpu.memory_space<vmem>>, vector<1x16xf32>,
        %parallel_loop3A_250 = arith.index_cast %parallel_loop3A_189 : i32 to index
        %parallel_loop3A_251 = arith.constant 80 : index
        %parallel_loop3A_252 = tpu.vector_load %arg6[%parallel_loop3A_250, %parallel_loop3A_251] {strides = array<i32>} : memref<128x128xf32, #tpu.memory_space<vmem>>, vector<1x16xf32>,
        %parallel_loop3A_253 = vector.shape_cast %parallel_loop3A_252 : vector<1x16xf32> to vector<16xf32>
        %parallel_loop3A_254 = arith.constant 11.3137083 : f32
        %parallel_loop3A_255 = vector.broadcast %parallel_loop3A_254 : f32 to vector<16xf32>
        %parallel_loop3A_256 = arith.mulf %parallel_loop3A_253, %parallel_loop3A_255 : vector<16xf32>
        %parallel_loop3A_257 = arith.index_cast %parallel_loop3A_189 : i32 to index
        %parallel_loop3A_258 = arith.constant 80 : index
        %parallel_loop3A_259 = tpu.vector_load %arg6[%parallel_loop3A_257, %parallel_loop3A_258] {strides = array<i32>} : memref<128x128xf32, #tpu.memory_space<vmem>>, vector<1x16xf32>,
        %parallel_loop3A_260 = vector.shape_cast %parallel_loop3A_259 : vector<1x16xf32> to vector<16xf32>
        %parallel_loop3A_261 = vector.shape_cast %parallel_loop3A_256 : vector<16xf32> to vector<1x16xf32>
        tpu.vector_store %arg6[%parallel_loop3A_257, %parallel_loop3A_258], %parallel_loop3A_261 {strides = array<i32>} : memref<128x128xf32, #tpu.memory_space<vmem>>, vector<1x16xf32>,
        %parallel_loop3A_262 = arith.index_cast %parallel_loop3A_189 : i32 to index
        %parallel_loop3A_263 = arith.constant 96 : index
        %parallel_loop3A_264 = tpu.vector_load %arg6[%parallel_loop3A_262, %parallel_loop3A_263] {strides = array<i32>} : memref<128x128xf32, #tpu.memory_space<vmem>>, vector<1x16xf32>,
        %parallel_loop3A_265 = vector.shape_cast %parallel_loop3A_264 : vector<1x16xf32> to vector<16xf32>
        %parallel_loop3A_266 = arith.constant 11.3137083 : f32
        %parallel_loop3A_267 = vector.broadcast %parallel_loop3A_266 : f32 to vector<16xf32>
        %parallel_loop3A_268 = arith.mulf %parallel_loop3A_265, %parallel_loop3A_267 : vector<16xf32>
        %parallel_loop3A_269 = arith.index_cast %parallel_loop3A_189 : i32 to index
        %parallel_loop3A_270 = arith.constant 96 : index
        %parallel_loop3A_271 = tpu.vector_load %arg6[%parallel_loop3A_269, %parallel_loop3A_270] {strides = array<i32>} : memref<128x128xf32, #tpu.memory_space<vmem>>, vector<1x16xf32>,
        %parallel_loop3A_272 = vector.shape_cast %parallel_loop3A_271 : vector<1x16xf32> to vector<16xf32>
        %parallel_loop3A_273 = vector.shape_cast %parallel_loop3A_268 : vector<16xf32> to vector<1x16xf32>
        tpu.vector_store %arg6[%parallel_loop3A_269, %parallel_loop3A_270], %parallel_loop3A_273 {strides = array<i32>} : memref<128x128xf32, #tpu.memory_space<vmem>>, vector<1x16xf32>,
        %parallel_loop3A_274 = arith.index_cast %parallel_loop3A_189 : i32 to index
        %parallel_loop3A_275 = arith.constant 112 : index
        %parallel_loop3A_276 = tpu.vector_load %arg6[%parallel_loop3A_274, %parallel_loop3A_275] {strides = array<i32>} : memref<128x128xf32, #tpu.memory_space<vmem>>, vector<1x16xf32>,
        %parallel_loop3A_277 = vector.shape_cast %parallel_loop3A_276 : vector<1x16xf32> to vector<16xf32>
        %parallel_loop3A_278 = arith.constant 11.3137083 : f32
        %parallel_loop3A_279 = vector.broadcast %parallel_loop3A_278 : f32 to vector<16xf32>
        %parallel_loop3A_280 = arith.mulf %parallel_loop3A_277, %parallel_loop3A_279 : vector<16xf32>
        %parallel_loop3A_281 = arith.index_cast %parallel_loop3A_189 : i32 to index
        %parallel_loop3A_282 = arith.constant 112 : index
        %parallel_loop3A_283 = tpu.vector_load %arg6[%parallel_loop3A_281, %parallel_loop3A_282] {strides = array<i32>} : memref<128x128xf32, #tpu.memory_space<vmem>>, vector<1x16xf32>,
        %parallel_loop3A_284 = vector.shape_cast %parallel_loop3A_283 : vector<1x16xf32> to vector<16xf32>
        %parallel_loop3A_285 = vector.shape_cast %parallel_loop3A_280 : vector<16xf32> to vector<1x16xf32>
        tpu.vector_store %arg6[%parallel_loop3A_281, %parallel_loop3A_282], %parallel_loop3A_285 {strides = array<i32>} : memref<128x128xf32, #tpu.memory_space<vmem>>, vector<1x16xf32>,
      } {sc.loop_unroll_factor = 1 : i64, sc.parallel_access}
      %add3A_74 = arith.addi %mul3A_2, %add3A_61 : i32
      %mul3A_75 = arith.constant 128 : i32
      %mul3A_76 = arith.muli %add3A_74, %mul3A_75 : i32
      %dma_start3A_77 = arith.constant 0 : i32
      %dma_start3A_78 = tpu.memref_slice %arg4[%mul3A_76, %dma_start3A_77] : memref<204800x128xf32, #tpu.memory_space<hbm>> -> memref<128x128xf32, #tpu.memory_space<hbm>>
      %dma_start3A_79 = arith.constant 0 : i32
      %dma_start3A_80 = tpu.memref_slice %arg4[%mul3A_76, %dma_start3A_79] : memref<204800x128xf32, #tpu.memory_space<hbm>> -> memref<128x128xf32, #tpu.memory_space<hbm>>
      tpu.enqueue_dma source(%arg6 : memref<128x128xf32, #tpu.memory_space<vmem>>) target(%dma_start3A_80 : memref<128x128xf32, #tpu.memory_space<hbm>>) target_semaphore(%arg16 : memref<!tpu.dma_semaphore, #tpu.memory_space<semaphore_mem>>)
      %mul3A_81 = arith.constant 5 : i32
      %mul3A_82 = arith.muli %mul3A_81, %scan3A_57 : i32
      %add3A_83 = arith.constant 1 : i32
      %add3A_84 = arith.addi %mul3A_82, %add3A_83 : i32
      %add3A_85 = arith.constant 3 : i32
      %add3A_86 = arith.addi %add3A_84, %add3A_85 : i32
      %lt3A_87 = arith.constant 50 : i32
      %lt3A_88 = arith.cmpi slt, %add3A_86, %lt3A_87 : i32
      %convert_element_type3A_89 = arith.extui %lt3A_88 : i1 to i32
      %cond3A_90 = arith.constant 0 : i32
      %cond3A_91 = arith.cmpi ne, %convert_element_type3A_89, %cond3A_90 : i32
      scf.if %cond3A_91 {
        %add3A_189 = arith.constant 3 : i32
        %add3A_190 = arith.addi %add3A_84, %add3A_189 : i32
        %ge3A = arith.constant 5 : i32
        %ge3A_191 = arith.cmpi sge, %add3A_190, %ge3A : i32
        %convert_element_type3A_192 = arith.extui %ge3A_191 : i1 to i32
        %cond3A_193 = arith.constant 0 : i32
        %cond3A_194 = arith.cmpi ne, %convert_element_type3A_192, %cond3A_193 : i32
        scf.if %cond3A_194 {
          %dma_wait3A_203 = arith.constant 0 : i32
          %dma_wait3A_204 = arith.constant 0 : i32
          %dma_wait3A_205 = tpu.memref_slice %arg4[%dma_wait3A_203, %dma_wait3A_204] : memref<204800x128xf32, #tpu.memory_space<hbm>> -> memref<128x128xf32, #tpu.memory_space<hbm>>
          %dma_wait3A_206 = arith.constant 0 : i32
          %dma_wait3A_207 = arith.constant 0 : i32
          %dma_wait3A_208 = tpu.memref_slice %arg4[%dma_wait3A_206, %dma_wait3A_207] : memref<204800x128xf32, #tpu.memory_space<hbm>> -> memref<128x128xf32, #tpu.memory_space<hbm>>
          tpu.wait_dma2 semaphore(%arg20 : memref<!tpu.dma_semaphore, #tpu.memory_space<semaphore_mem>>) src(%arg10 : memref<128x128xf32, #tpu.memory_space<vmem>>) dst(%dma_wait3A_208 : memref<128x128xf32, #tpu.memory_space<hbm>>)
        } else {
        }
        %add3A_195 = arith.constant 3 : i32
        %add3A_196 = arith.addi %add3A_84, %add3A_195 : i32
        %dma_start3A_197 = arith.constant 0 : i32
        %dma_start3A_198 = tpu.memref_slice %arg5[%add3A_196, %dma_start3A_197] : memref<50x128xi32, #tpu.memory_space<vmem>> -> memref<1x128xi32, #tpu.memory_space<vmem>>
        %dma_start3A_199 = tpu.memref_squeeze %dma_start3A_198 : memref<1x128xi32, #tpu.memory_space<vmem>> -> memref<128xi32, #tpu.memory_space<vmem>>
        %dma_start3A_200 = arith.constant 0 : i32
        %dma_start3A_201 = arith.constant 0 : i32
        %dma_start3A_202 = tpu.memref_slice %arg3[%dma_start3A_200, %dma_start3A_201] : memref<100000x128xf32, #tpu.memory_space<hbm>> -> memref<100000x128xf32, #tpu.memory_space<hbm>>
        tpu.enqueue_indirect_dma source(%dma_start3A_202 : memref<100000x128xf32, #tpu.memory_space<hbm>>) target(%arg10 : memref<128x128xf32, #tpu.memory_space<vmem>>) offsets(%dma_start3A_199 : memref<128xi32, #tpu.memory_space<vmem>>) semaphore(%arg15 : memref<!tpu.dma_semaphore, #tpu.memory_space<semaphore_mem>>)
      } else {
      }
      %dma_wait3A_92 = arith.constant 0 : i32
      %dma_wait3A_93 = tpu.memref_slice %arg5[%add3A_84, %dma_wait3A_92] : memref<50x128xi32, #tpu.memory_space<vmem>> -> memref<1x128xi32, #tpu.memory_space<vmem>>
      %dma_wait3A_94 = tpu.memref_squeeze %dma_wait3A_93 : memref<1x128xi32, #tpu.memory_space<vmem>> -> memref<128xi32, #tpu.memory_space<vmem>>
      %dma_wait3A_95 = arith.constant 0 : i32
      %dma_wait3A_96 = arith.constant 0 : i32
      %dma_wait3A_97 = tpu.memref_slice %arg3[%dma_wait3A_95, %dma_wait3A_96] : memref<100000x128xf32, #tpu.memory_space<hbm>> -> memref<100000x128xf32, #tpu.memory_space<hbm>>
      tpu.wait_indirect_dma semaphore(%arg12 : memref<!tpu.dma_semaphore, #tpu.memory_space<semaphore_mem>>) src(%dma_wait3A_97 : memref<100000x128xf32, #tpu.memory_space<hbm>>) dst(%arg7 : memref<128x128xf32, #tpu.memory_space<vmem>>)
      %parallel_loop3A_98 = arith.constant 0 : i32
      %parallel_loop3A_99 = arith.constant 128 : i32
      %parallel_loop3A_100 = arith.constant 1 : i32
      scf.for %parallel_loop3A_189 = %parallel_loop3A_98 to %parallel_loop3A_99 step %parallel_loop3A_100  : i32 {
        %parallel_loop3A_190 = arith.index_cast %parallel_loop3A_189 : i32 to index
        %parallel_loop3A_191 = arith.constant 0 : index
        %parallel_loop3A_192 = tpu.vector_load %arg7[%parallel_loop3A_190, %parallel_loop3A_191] {strides = array<i32>} : memref<128x128xf32, #tpu.memory_space<vmem>>, vector<1x16xf32>,
        %parallel_loop3A_193 = vector.shape_cast %parallel_loop3A_192 : vector<1x16xf32> to vector<16xf32>
        %parallel_loop3A_194 = arith.constant 11.3137083 : f32
        %parallel_loop3A_195 = vector.broadcast %parallel_loop3A_194 : f32 to vector<16xf32>
        %parallel_loop3A_196 = arith.mulf %parallel_loop3A_193, %parallel_loop3A_195 : vector<16xf32>
        %parallel_loop3A_197 = arith.index_cast %parallel_loop3A_189 : i32 to index
        %parallel_loop3A_198 = arith.constant 0 : index
        %parallel_loop3A_199 = tpu.vector_load %arg7[%parallel_loop3A_197, %parallel_loop3A_198] {strides = array<i32>} : memref<128x128xf32, #tpu.memory_space<vmem>>, vector<1x16xf32>,
        %parallel_loop3A_200 = vector.shape_cast %parallel_loop3A_199 : vector<1x16xf32> to vector<16xf32>
        %parallel_loop3A_201 = vector.shape_cast %parallel_loop3A_196 : vector<16xf32> to vector<1x16xf32>
        tpu.vector_store %arg7[%parallel_loop3A_197, %parallel_loop3A_198], %parallel_loop3A_201 {strides = array<i32>} : memref<128x128xf32, #tpu.memory_space<vmem>>, vector<1x16xf32>,
        %parallel_loop3A_202 = arith.index_cast %parallel_loop3A_189 : i32 to index
        %parallel_loop3A_203 = arith.constant 16 : index
        %parallel_loop3A_204 = tpu.vector_load %arg7[%parallel_loop3A_202, %parallel_loop3A_203] {strides = array<i32>} : memref<128x128xf32, #tpu.memory_space<vmem>>, vector<1x16xf32>,
        %parallel_loop3A_205 = vector.shape_cast %parallel_loop3A_204 : vector<1x16xf32> to vector<16xf32>
        %parallel_loop3A_206 = arith.constant 11.3137083 : f32
        %parallel_loop3A_207 = vector.broadcast %parallel_loop3A_206 : f32 to vector<16xf32>
        %parallel_loop3A_208 = arith.mulf %parallel_loop3A_205, %parallel_loop3A_207 : vector<16xf32>
        %parallel_loop3A_209 = arith.index_cast %parallel_loop3A_189 : i32 to index
        %parallel_loop3A_210 = arith.constant 16 : index
        %parallel_loop3A_211 = tpu.vector_load %arg7[%parallel_loop3A_209, %parallel_loop3A_210] {strides = array<i32>} : memref<128x128xf32, #tpu.memory_space<vmem>>, vector<1x16xf32>,
        %parallel_loop3A_212 = vector.shape_cast %parallel_loop3A_211 : vector<1x16xf32> to vector<16xf32>
        %parallel_loop3A_213 = vector.shape_cast %parallel_loop3A_208 : vector<16xf32> to vector<1x16xf32>
        tpu.vector_store %arg7[%parallel_loop3A_209, %parallel_loop3A_210], %parallel_loop3A_213 {strides = array<i32>} : memref<128x128xf32, #tpu.memory_space<vmem>>, vector<1x16xf32>,
        %parallel_loop3A_214 = arith.index_cast %parallel_loop3A_189 : i32 to index
        %parallel_loop3A_215 = arith.constant 32 : index
        %parallel_loop3A_216 = tpu.vector_load %arg7[%parallel_loop3A_214, %parallel_loop3A_215] {strides = array<i32>} : memref<128x128xf32, #tpu.memory_space<vmem>>, vector<1x16xf32>,
        %parallel_loop3A_217 = vector.shape_cast %parallel_loop3A_216 : vector<1x16xf32> to vector<16xf32>
        %parallel_loop3A_218 = arith.constant 11.3137083 : f32
        %parallel_loop3A_219 = vector.broadcast %parallel_loop3A_218 : f32 to vector<16xf32>
        %parallel_loop3A_220 = arith.mulf %parallel_loop3A_217, %parallel_loop3A_219 : vector<16xf32>
        %parallel_loop3A_221 = arith.index_cast %parallel_loop3A_189 : i32 to index
        %parallel_loop3A_222 = arith.constant 32 : index
        %parallel_loop3A_223 = tpu.vector_load %arg7[%parallel_loop3A_221, %parallel_loop3A_222] {strides = array<i32>} : memref<128x128xf32, #tpu.memory_space<vmem>>, vector<1x16xf32>,
        %parallel_loop3A_224 = vector.shape_cast %parallel_loop3A_223 : vector<1x16xf32> to vector<16xf32>
        %parallel_loop3A_225 = vector.shape_cast %parallel_loop3A_220 : vector<16xf32> to vector<1x16xf32>
        tpu.vector_store %arg7[%parallel_loop3A_221, %parallel_loop3A_222], %parallel_loop3A_225 {strides = array<i32>} : memref<128x128xf32, #tpu.memory_space<vmem>>, vector<1x16xf32>,
        %parallel_loop3A_226 = arith.index_cast %parallel_loop3A_189 : i32 to index
        %parallel_loop3A_227 = arith.constant 48 : index
        %parallel_loop3A_228 = tpu.vector_load %arg7[%parallel_loop3A_226, %parallel_loop3A_227] {strides = array<i32>} : memref<128x128xf32, #tpu.memory_space<vmem>>, vector<1x16xf32>,
        %parallel_loop3A_229 = vector.shape_cast %parallel_loop3A_228 : vector<1x16xf32> to vector<16xf32>
        %parallel_loop3A_230 = arith.constant 11.3137083 : f32
        %parallel_loop3A_231 = vector.broadcast %parallel_loop3A_230 : f32 to vector<16xf32>
        %parallel_loop3A_232 = arith.mulf %parallel_loop3A_229, %parallel_loop3A_231 : vector<16xf32>
        %parallel_loop3A_233 = arith.index_cast %parallel_loop3A_189 : i32 to index
        %parallel_loop3A_234 = arith.constant 48 : index
        %parallel_loop3A_235 = tpu.vector_load %arg7[%parallel_loop3A_233, %parallel_loop3A_234] {strides = array<i32>} : memref<128x128xf32, #tpu.memory_space<vmem>>, vector<1x16xf32>,
        %parallel_loop3A_236 = vector.shape_cast %parallel_loop3A_235 : vector<1x16xf32> to vector<16xf32>
        %parallel_loop3A_237 = vector.shape_cast %parallel_loop3A_232 : vector<16xf32> to vector<1x16xf32>
        tpu.vector_store %arg7[%parallel_loop3A_233, %parallel_loop3A_234], %parallel_loop3A_237 {strides = array<i32>} : memref<128x128xf32, #tpu.memory_space<vmem>>, vector<1x16xf32>,
        %parallel_loop3A_238 = arith.index_cast %parallel_loop3A_189 : i32 to index
        %parallel_loop3A_239 = arith.constant 64 : index
        %parallel_loop3A_240 = tpu.vector_load %arg7[%parallel_loop3A_238, %parallel_loop3A_239] {strides = array<i32>} : memref<128x128xf32, #tpu.memory_space<vmem>>, vector<1x16xf32>,
        %parallel_loop3A_241 = vector.shape_cast %parallel_loop3A_240 : vector<1x16xf32> to vector<16xf32>
        %parallel_loop3A_242 = arith.constant 11.3137083 : f32
        %parallel_loop3A_243 = vector.broadcast %parallel_loop3A_242 : f32 to vector<16xf32>
        %parallel_loop3A_244 = arith.mulf %parallel_loop3A_241, %parallel_loop3A_243 : vector<16xf32>
        %parallel_loop3A_245 = arith.index_cast %parallel_loop3A_189 : i32 to index
        %parallel_loop3A_246 = arith.constant 64 : index
        %parallel_loop3A_247 = tpu.vector_load %arg7[%parallel_loop3A_245, %parallel_loop3A_246] {strides = array<i32>} : memref<128x128xf32, #tpu.memory_space<vmem>>, vector<1x16xf32>,
        %parallel_loop3A_248 = vector.shape_cast %parallel_loop3A_247 : vector<1x16xf32> to vector<16xf32>
        %parallel_loop3A_249 = vector.shape_cast %parallel_loop3A_244 : vector<16xf32> to vector<1x16xf32>
        tpu.vector_store %arg7[%parallel_loop3A_245, %parallel_loop3A_246], %parallel_loop3A_249 {strides = array<i32>} : memref<128x128xf32, #tpu.memory_space<vmem>>, vector<1x16xf32>,
        %parallel_loop3A_250 = arith.index_cast %parallel_loop3A_189 : i32 to index
        %parallel_loop3A_251 = arith.constant 80 : index
        %parallel_loop3A_252 = tpu.vector_load %arg7[%parallel_loop3A_250, %parallel_loop3A_251] {strides = array<i32>} : memref<128x128xf32, #tpu.memory_space<vmem>>, vector<1x16xf32>,
        %parallel_loop3A_253 = vector.shape_cast %parallel_loop3A_252 : vector<1x16xf32> to vector<16xf32>
        %parallel_loop3A_254 = arith.constant 11.3137083 : f32
        %parallel_loop3A_255 = vector.broadcast %parallel_loop3A_254 : f32 to vector<16xf32>
        %parallel_loop3A_256 = arith.mulf %parallel_loop3A_253, %parallel_loop3A_255 : vector<16xf32>
        %parallel_loop3A_257 = arith.index_cast %parallel_loop3A_189 : i32 to index
        %parallel_loop3A_258 = arith.constant 80 : index
        %parallel_loop3A_259 = tpu.vector_load %arg7[%parallel_loop3A_257, %parallel_loop3A_258] {strides = array<i32>} : memref<128x128xf32, #tpu.memory_space<vmem>>, vector<1x16xf32>,
        %parallel_loop3A_260 = vector.shape_cast %parallel_loop3A_259 : vector<1x16xf32> to vector<16xf32>
        %parallel_loop3A_261 = vector.shape_cast %parallel_loop3A_256 : vector<16xf32> to vector<1x16xf32>
        tpu.vector_store %arg7[%parallel_loop3A_257, %parallel_loop3A_258], %parallel_loop3A_261 {strides = array<i32>} : memref<128x128xf32, #tpu.memory_space<vmem>>, vector<1x16xf32>,
        %parallel_loop3A_262 = arith.index_cast %parallel_loop3A_189 : i32 to index
        %parallel_loop3A_263 = arith.constant 96 : index
        %parallel_loop3A_264 = tpu.vector_load %arg7[%parallel_loop3A_262, %parallel_loop3A_263] {strides = array<i32>} : memref<128x128xf32, #tpu.memory_space<vmem>>, vector<1x16xf32>,
        %parallel_loop3A_265 = vector.shape_cast %parallel_loop3A_264 : vector<1x16xf32> to vector<16xf32>
        %parallel_loop3A_266 = arith.constant 11.3137083 : f32
        %parallel_loop3A_267 = vector.broadcast %parallel_loop3A_266 : f32 to vector<16xf32>
        %parallel_loop3A_268 = arith.mulf %parallel_loop3A_265, %parallel_loop3A_267 : vector<16xf32>
        %parallel_loop3A_269 = arith.index_cast %parallel_loop3A_189 : i32 to index
        %parallel_loop3A_270 = arith.constant 96 : index
        %parallel_loop3A_271 = tpu.vector_load %arg7[%parallel_loop3A_269, %parallel_loop3A_270] {strides = array<i32>} : memref<128x128xf32, #tpu.memory_space<vmem>>, vector<1x16xf32>,
        %parallel_loop3A_272 = vector.shape_cast %parallel_loop3A_271 : vector<1x16xf32> to vector<16xf32>
        %parallel_loop3A_273 = vector.shape_cast %parallel_loop3A_268 : vector<16xf32> to vector<1x16xf32>
        tpu.vector_store %arg7[%parallel_loop3A_269, %parallel_loop3A_270], %parallel_loop3A_273 {strides = array<i32>} : memref<128x128xf32, #tpu.memory_space<vmem>>, vector<1x16xf32>,
        %parallel_loop3A_274 = arith.index_cast %parallel_loop3A_189 : i32 to index
        %parallel_loop3A_275 = arith.constant 112 : index
        %parallel_loop3A_276 = tpu.vector_load %arg7[%parallel_loop3A_274, %parallel_loop3A_275] {strides = array<i32>} : memref<128x128xf32, #tpu.memory_space<vmem>>, vector<1x16xf32>,
        %parallel_loop3A_277 = vector.shape_cast %parallel_loop3A_276 : vector<1x16xf32> to vector<16xf32>
        %parallel_loop3A_278 = arith.constant 11.3137083 : f32
        %parallel_loop3A_279 = vector.broadcast %parallel_loop3A_278 : f32 to vector<16xf32>
        %parallel_loop3A_280 = arith.mulf %parallel_loop3A_277, %parallel_loop3A_279 : vector<16xf32>
        %parallel_loop3A_281 = arith.index_cast %parallel_loop3A_189 : i32 to index
        %parallel_loop3A_282 = arith.constant 112 : index
        %parallel_loop3A_283 = tpu.vector_load %arg7[%parallel_loop3A_281, %parallel_loop3A_282] {strides = array<i32>} : memref<128x128xf32, #tpu.memory_space<vmem>>, vector<1x16xf32>,
        %parallel_loop3A_284 = vector.shape_cast %parallel_loop3A_283 : vector<1x16xf32> to vector<16xf32>
        %parallel_loop3A_285 = vector.shape_cast %parallel_loop3A_280 : vector<16xf32> to vector<1x16xf32>
        tpu.vector_store %arg7[%parallel_loop3A_281, %parallel_loop3A_282], %parallel_loop3A_285 {strides = array<i32>} : memref<128x128xf32, #tpu.memory_space<vmem>>, vector<1x16xf32>,
      } {sc.loop_unroll_factor = 1 : i64, sc.parallel_access}
      %add3A_101 = arith.addi %mul3A_2, %add3A_84 : i32
      %mul3A_102 = arith.constant 128 : i32
      %mul3A_103 = arith.muli %add3A_101, %mul3A_102 : i32
      %dma_start3A_104 = arith.constant 0 : i32
      %dma_start3A_105 = tpu.memref_slice %arg4[%mul3A_103, %dma_start3A_104] : memref<204800x128xf32, #tpu.memory_space<hbm>> -> memref<128x128xf32, #tpu.memory_space<hbm>>
      %dma_start3A_106 = arith.constant 0 : i32
      %dma_start3A_107 = tpu.memref_slice %arg4[%mul3A_103, %dma_start3A_106] : memref<204800x128xf32, #tpu.memory_space<hbm>> -> memref<128x128xf32, #tpu.memory_space<hbm>>
      tpu.enqueue_dma source(%arg7 : memref<128x128xf32, #tpu.memory_space<vmem>>) target(%dma_start3A_107 : memref<128x128xf32, #tpu.memory_space<hbm>>) target_semaphore(%arg17 : memref<!tpu.dma_semaphore, #tpu.memory_space<semaphore_mem>>)
      %mul3A_108 = arith.constant 5 : i32
      %mul3A_109 = arith.muli %mul3A_108, %scan3A_57 : i32
      %add3A_110 = arith.constant 2 : i32
      %add3A_111 = arith.addi %mul3A_109, %add3A_110 : i32
      %add3A_112 = arith.constant 3 : i32
      %add3A_113 = arith.addi %add3A_111, %add3A_112 : i32
      %lt3A_114 = arith.constant 50 : i32
      %lt3A_115 = arith.cmpi slt, %add3A_113, %lt3A_114 : i32
      %convert_element_type3A_116 = arith.extui %lt3A_115 : i1 to i32
      %cond3A_117 = arith.constant 0 : i32
      %cond3A_118 = arith.cmpi ne, %convert_element_type3A_116, %cond3A_117 : i32
      scf.if %cond3A_118 {
        %add3A_189 = arith.constant 3 : i32
        %add3A_190 = arith.addi %add3A_111, %add3A_189 : i32
        %ge3A = arith.constant 5 : i32
        %ge3A_191 = arith.cmpi sge, %add3A_190, %ge3A : i32
        %convert_element_type3A_192 = arith.extui %ge3A_191 : i1 to i32
        %cond3A_193 = arith.constant 0 : i32
        %cond3A_194 = arith.cmpi ne, %convert_element_type3A_192, %cond3A_193 : i32
        scf.if %cond3A_194 {
          %dma_wait3A_203 = arith.constant 0 : i32
          %dma_wait3A_204 = arith.constant 0 : i32
          %dma_wait3A_205 = tpu.memref_slice %arg4[%dma_wait3A_203, %dma_wait3A_204] : memref<204800x128xf32, #tpu.memory_space<hbm>> -> memref<128x128xf32, #tpu.memory_space<hbm>>
          %dma_wait3A_206 = arith.constant 0 : i32
          %dma_wait3A_207 = arith.constant 0 : i32
          %dma_wait3A_208 = tpu.memref_slice %arg4[%dma_wait3A_206, %dma_wait3A_207] : memref<204800x128xf32, #tpu.memory_space<hbm>> -> memref<128x128xf32, #tpu.memory_space<hbm>>
          tpu.wait_dma2 semaphore(%arg16 : memref<!tpu.dma_semaphore, #tpu.memory_space<semaphore_mem>>) src(%arg6 : memref<128x128xf32, #tpu.memory_space<vmem>>) dst(%dma_wait3A_208 : memref<128x128xf32, #tpu.memory_space<hbm>>)
        } else {
        }
        %add3A_195 = arith.constant 3 : i32
        %add3A_196 = arith.addi %add3A_111, %add3A_195 : i32
        %dma_start3A_197 = arith.constant 0 : i32
        %dma_start3A_198 = tpu.memref_slice %arg5[%add3A_196, %dma_start3A_197] : memref<50x128xi32, #tpu.memory_space<vmem>> -> memref<1x128xi32, #tpu.memory_space<vmem>>
        %dma_start3A_199 = tpu.memref_squeeze %dma_start3A_198 : memref<1x128xi32, #tpu.memory_space<vmem>> -> memref<128xi32, #tpu.memory_space<vmem>>
        %dma_start3A_200 = arith.constant 0 : i32
        %dma_start3A_201 = arith.constant 0 : i32
        %dma_start3A_202 = tpu.memref_slice %arg3[%dma_start3A_200, %dma_start3A_201] : memref<100000x128xf32, #tpu.memory_space<hbm>> -> memref<100000x128xf32, #tpu.memory_space<hbm>>
        tpu.enqueue_indirect_dma source(%dma_start3A_202 : memref<100000x128xf32, #tpu.memory_space<hbm>>) target(%arg6 : memref<128x128xf32, #tpu.memory_space<vmem>>) offsets(%dma_start3A_199 : memref<128xi32, #tpu.memory_space<vmem>>) semaphore(%arg11 : memref<!tpu.dma_semaphore, #tpu.memory_space<semaphore_mem>>)
      } else {
      }
      %dma_wait3A_119 = arith.constant 0 : i32
      %dma_wait3A_120 = tpu.memref_slice %arg5[%add3A_111, %dma_wait3A_119] : memref<50x128xi32, #tpu.memory_space<vmem>> -> memref<1x128xi32, #tpu.memory_space<vmem>>
      %dma_wait3A_121 = tpu.memref_squeeze %dma_wait3A_120 : memref<1x128xi32, #tpu.memory_space<vmem>> -> memref<128xi32, #tpu.memory_space<vmem>>
      %dma_wait3A_122 = arith.constant 0 : i32
      %dma_wait3A_123 = arith.constant 0 : i32
      %dma_wait3A_124 = tpu.memref_slice %arg3[%dma_wait3A_122, %dma_wait3A_123] : memref<100000x128xf32, #tpu.memory_space<hbm>> -> memref<100000x128xf32, #tpu.memory_space<hbm>>
      tpu.wait_indirect_dma semaphore(%arg13 : memref<!tpu.dma_semaphore, #tpu.memory_space<semaphore_mem>>) src(%dma_wait3A_124 : memref<100000x128xf32, #tpu.memory_space<hbm>>) dst(%arg8 : memref<128x128xf32, #tpu.memory_space<vmem>>)
      %parallel_loop3A_125 = arith.constant 0 : i32
      %parallel_loop3A_126 = arith.constant 128 : i32
      %parallel_loop3A_127 = arith.constant 1 : i32
      scf.for %parallel_loop3A_189 = %parallel_loop3A_125 to %parallel_loop3A_126 step %parallel_loop3A_127  : i32 {
        %parallel_loop3A_190 = arith.index_cast %parallel_loop3A_189 : i32 to index
        %parallel_loop3A_191 = arith.constant 0 : index
        %parallel_loop3A_192 = tpu.vector_load %arg8[%parallel_loop3A_190, %parallel_loop3A_191] {strides = array<i32>} : memref<128x128xf32, #tpu.memory_space<vmem>>, vector<1x16xf32>,
        %parallel_loop3A_193 = vector.shape_cast %parallel_loop3A_192 : vector<1x16xf32> to vector<16xf32>
        %parallel_loop3A_194 = arith.constant 11.3137083 : f32
        %parallel_loop3A_195 = vector.broadcast %parallel_loop3A_194 : f32 to vector<16xf32>
        %parallel_loop3A_196 = arith.mulf %parallel_loop3A_193, %parallel_loop3A_195 : vector<16xf32>
        %parallel_loop3A_197 = arith.index_cast %parallel_loop3A_189 : i32 to index
        %parallel_loop3A_198 = arith.constant 0 : index
        %parallel_loop3A_199 = tpu.vector_load %arg8[%parallel_loop3A_197, %parallel_loop3A_198] {strides = array<i32>} : memref<128x128xf32, #tpu.memory_space<vmem>>, vector<1x16xf32>,
        %parallel_loop3A_200 = vector.shape_cast %parallel_loop3A_199 : vector<1x16xf32> to vector<16xf32>
        %parallel_loop3A_201 = vector.shape_cast %parallel_loop3A_196 : vector<16xf32> to vector<1x16xf32>
        tpu.vector_store %arg8[%parallel_loop3A_197, %parallel_loop3A_198], %parallel_loop3A_201 {strides = array<i32>} : memref<128x128xf32, #tpu.memory_space<vmem>>, vector<1x16xf32>,
        %parallel_loop3A_202 = arith.index_cast %parallel_loop3A_189 : i32 to index
        %parallel_loop3A_203 = arith.constant 16 : index
        %parallel_loop3A_204 = tpu.vector_load %arg8[%parallel_loop3A_202, %parallel_loop3A_203] {strides = array<i32>} : memref<128x128xf32, #tpu.memory_space<vmem>>, vector<1x16xf32>,
        %parallel_loop3A_205 = vector.shape_cast %parallel_loop3A_204 : vector<1x16xf32> to vector<16xf32>
        %parallel_loop3A_206 = arith.constant 11.3137083 : f32
        %parallel_loop3A_207 = vector.broadcast %parallel_loop3A_206 : f32 to vector<16xf32>
        %parallel_loop3A_208 = arith.mulf %parallel_loop3A_205, %parallel_loop3A_207 : vector<16xf32>
        %parallel_loop3A_209 = arith.index_cast %parallel_loop3A_189 : i32 to index
        %parallel_loop3A_210 = arith.constant 16 : index
        %parallel_loop3A_211 = tpu.vector_load %arg8[%parallel_loop3A_209, %parallel_loop3A_210] {strides = array<i32>} : memref<128x128xf32, #tpu.memory_space<vmem>>, vector<1x16xf32>,
        %parallel_loop3A_212 = vector.shape_cast %parallel_loop3A_211 : vector<1x16xf32> to vector<16xf32>
        %parallel_loop3A_213 = vector.shape_cast %parallel_loop3A_208 : vector<16xf32> to vector<1x16xf32>
        tpu.vector_store %arg8[%parallel_loop3A_209, %parallel_loop3A_210], %parallel_loop3A_213 {strides = array<i32>} : memref<128x128xf32, #tpu.memory_space<vmem>>, vector<1x16xf32>,
        %parallel_loop3A_214 = arith.index_cast %parallel_loop3A_189 : i32 to index
        %parallel_loop3A_215 = arith.constant 32 : index
        %parallel_loop3A_216 = tpu.vector_load %arg8[%parallel_loop3A_214, %parallel_loop3A_215] {strides = array<i32>} : memref<128x128xf32, #tpu.memory_space<vmem>>, vector<1x16xf32>,
        %parallel_loop3A_217 = vector.shape_cast %parallel_loop3A_216 : vector<1x16xf32> to vector<16xf32>
        %parallel_loop3A_218 = arith.constant 11.3137083 : f32
        %parallel_loop3A_219 = vector.broadcast %parallel_loop3A_218 : f32 to vector<16xf32>
        %parallel_loop3A_220 = arith.mulf %parallel_loop3A_217, %parallel_loop3A_219 : vector<16xf32>
        %parallel_loop3A_221 = arith.index_cast %parallel_loop3A_189 : i32 to index
        %parallel_loop3A_222 = arith.constant 32 : index
        %parallel_loop3A_223 = tpu.vector_load %arg8[%parallel_loop3A_221, %parallel_loop3A_222] {strides = array<i32>} : memref<128x128xf32, #tpu.memory_space<vmem>>, vector<1x16xf32>,
        %parallel_loop3A_224 = vector.shape_cast %parallel_loop3A_223 : vector<1x16xf32> to vector<16xf32>
        %parallel_loop3A_225 = vector.shape_cast %parallel_loop3A_220 : vector<16xf32> to vector<1x16xf32>
        tpu.vector_store %arg8[%parallel_loop3A_221, %parallel_loop3A_222], %parallel_loop3A_225 {strides = array<i32>} : memref<128x128xf32, #tpu.memory_space<vmem>>, vector<1x16xf32>,
        %parallel_loop3A_226 = arith.index_cast %parallel_loop3A_189 : i32 to index
        %parallel_loop3A_227 = arith.constant 48 : index
        %parallel_loop3A_228 = tpu.vector_load %arg8[%parallel_loop3A_226, %parallel_loop3A_227] {strides = array<i32>} : memref<128x128xf32, #tpu.memory_space<vmem>>, vector<1x16xf32>,
        %parallel_loop3A_229 = vector.shape_cast %parallel_loop3A_228 : vector<1x16xf32> to vector<16xf32>
        %parallel_loop3A_230 = arith.constant 11.3137083 : f32
        %parallel_loop3A_231 = vector.broadcast %parallel_loop3A_230 : f32 to vector<16xf32>
        %parallel_loop3A_232 = arith.mulf %parallel_loop3A_229, %parallel_loop3A_231 : vector<16xf32>
        %parallel_loop3A_233 = arith.index_cast %parallel_loop3A_189 : i32 to index
        %parallel_loop3A_234 = arith.constant 48 : index
        %parallel_loop3A_235 = tpu.vector_load %arg8[%parallel_loop3A_233, %parallel_loop3A_234] {strides = array<i32>} : memref<128x128xf32, #tpu.memory_space<vmem>>, vector<1x16xf32>,
        %parallel_loop3A_236 = vector.shape_cast %parallel_loop3A_235 : vector<1x16xf32> to vector<16xf32>
        %parallel_loop3A_237 = vector.shape_cast %parallel_loop3A_232 : vector<16xf32> to vector<1x16xf32>
        tpu.vector_store %arg8[%parallel_loop3A_233, %parallel_loop3A_234], %parallel_loop3A_237 {strides = array<i32>} : memref<128x128xf32, #tpu.memory_space<vmem>>, vector<1x16xf32>,
        %parallel_loop3A_238 = arith.index_cast %parallel_loop3A_189 : i32 to index
        %parallel_loop3A_239 = arith.constant 64 : index
        %parallel_loop3A_240 = tpu.vector_load %arg8[%parallel_loop3A_238, %parallel_loop3A_239] {strides = array<i32>} : memref<128x128xf32, #tpu.memory_space<vmem>>, vector<1x16xf32>,
        %parallel_loop3A_241 = vector.shape_cast %parallel_loop3A_240 : vector<1x16xf32> to vector<16xf32>
        %parallel_loop3A_242 = arith.constant 11.3137083 : f32
        %parallel_loop3A_243 = vector.broadcast %parallel_loop3A_242 : f32 to vector<16xf32>
        %parallel_loop3A_244 = arith.mulf %parallel_loop3A_241, %parallel_loop3A_243 : vector<16xf32>
        %parallel_loop3A_245 = arith.index_cast %parallel_loop3A_189 : i32 to index
        %parallel_loop3A_246 = arith.constant 64 : index
        %parallel_loop3A_247 = tpu.vector_load %arg8[%parallel_loop3A_245, %parallel_loop3A_246] {strides = array<i32>} : memref<128x128xf32, #tpu.memory_space<vmem>>, vector<1x16xf32>,
        %parallel_loop3A_248 = vector.shape_cast %parallel_loop3A_247 : vector<1x16xf32> to vector<16xf32>
        %parallel_loop3A_249 = vector.shape_cast %parallel_loop3A_244 : vector<16xf32> to vector<1x16xf32>
        tpu.vector_store %arg8[%parallel_loop3A_245, %parallel_loop3A_246], %parallel_loop3A_249 {strides = array<i32>} : memref<128x128xf32, #tpu.memory_space<vmem>>, vector<1x16xf32>,
        %parallel_loop3A_250 = arith.index_cast %parallel_loop3A_189 : i32 to index
        %parallel_loop3A_251 = arith.constant 80 : index
        %parallel_loop3A_252 = tpu.vector_load %arg8[%parallel_loop3A_250, %parallel_loop3A_251] {strides = array<i32>} : memref<128x128xf32, #tpu.memory_space<vmem>>, vector<1x16xf32>,
        %parallel_loop3A_253 = vector.shape_cast %parallel_loop3A_252 : vector<1x16xf32> to vector<16xf32>
        %parallel_loop3A_254 = arith.constant 11.3137083 : f32
        %parallel_loop3A_255 = vector.broadcast %parallel_loop3A_254 : f32 to vector<16xf32>
        %parallel_loop3A_256 = arith.mulf %parallel_loop3A_253, %parallel_loop3A_255 : vector<16xf32>
        %parallel_loop3A_257 = arith.index_cast %parallel_loop3A_189 : i32 to index
        %parallel_loop3A_258 = arith.constant 80 : index
        %parallel_loop3A_259 = tpu.vector_load %arg8[%parallel_loop3A_257, %parallel_loop3A_258] {strides = array<i32>} : memref<128x128xf32, #tpu.memory_space<vmem>>, vector<1x16xf32>,
        %parallel_loop3A_260 = vector.shape_cast %parallel_loop3A_259 : vector<1x16xf32> to vector<16xf32>
        %parallel_loop3A_261 = vector.shape_cast %parallel_loop3A_256 : vector<16xf32> to vector<1x16xf32>
        tpu.vector_store %arg8[%parallel_loop3A_257, %parallel_loop3A_258], %parallel_loop3A_261 {strides = array<i32>} : memref<128x128xf32, #tpu.memory_space<vmem>>, vector<1x16xf32>,
        %parallel_loop3A_262 = arith.index_cast %parallel_loop3A_189 : i32 to index
        %parallel_loop3A_263 = arith.constant 96 : index
        %parallel_loop3A_264 = tpu.vector_load %arg8[%parallel_loop3A_262, %parallel_loop3A_263] {strides = array<i32>} : memref<128x128xf32, #tpu.memory_space<vmem>>, vector<1x16xf32>,
        %parallel_loop3A_265 = vector.shape_cast %parallel_loop3A_264 : vector<1x16xf32> to vector<16xf32>
        %parallel_loop3A_266 = arith.constant 11.3137083 : f32
        %parallel_loop3A_267 = vector.broadcast %parallel_loop3A_266 : f32 to vector<16xf32>
        %parallel_loop3A_268 = arith.mulf %parallel_loop3A_265, %parallel_loop3A_267 : vector<16xf32>
        %parallel_loop3A_269 = arith.index_cast %parallel_loop3A_189 : i32 to index
        %parallel_loop3A_270 = arith.constant 96 : index
        %parallel_loop3A_271 = tpu.vector_load %arg8[%parallel_loop3A_269, %parallel_loop3A_270] {strides = array<i32>} : memref<128x128xf32, #tpu.memory_space<vmem>>, vector<1x16xf32>,
        %parallel_loop3A_272 = vector.shape_cast %parallel_loop3A_271 : vector<1x16xf32> to vector<16xf32>
        %parallel_loop3A_273 = vector.shape_cast %parallel_loop3A_268 : vector<16xf32> to vector<1x16xf32>
        tpu.vector_store %arg8[%parallel_loop3A_269, %parallel_loop3A_270], %parallel_loop3A_273 {strides = array<i32>} : memref<128x128xf32, #tpu.memory_space<vmem>>, vector<1x16xf32>,
        %parallel_loop3A_274 = arith.index_cast %parallel_loop3A_189 : i32 to index
        %parallel_loop3A_275 = arith.constant 112 : index
        %parallel_loop3A_276 = tpu.vector_load %arg8[%parallel_loop3A_274, %parallel_loop3A_275] {strides = array<i32>} : memref<128x128xf32, #tpu.memory_space<vmem>>, vector<1x16xf32>,
        %parallel_loop3A_277 = vector.shape_cast %parallel_loop3A_276 : vector<1x16xf32> to vector<16xf32>
        %parallel_loop3A_278 = arith.constant 11.3137083 : f32
        %parallel_loop3A_279 = vector.broadcast %parallel_loop3A_278 : f32 to vector<16xf32>
        %parallel_loop3A_280 = arith.mulf %parallel_loop3A_277, %parallel_loop3A_279 : vector<16xf32>
        %parallel_loop3A_281 = arith.index_cast %parallel_loop3A_189 : i32 to index
        %parallel_loop3A_282 = arith.constant 112 : index
        %parallel_loop3A_283 = tpu.vector_load %arg8[%parallel_loop3A_281, %parallel_loop3A_282] {strides = array<i32>} : memref<128x128xf32, #tpu.memory_space<vmem>>, vector<1x16xf32>,
        %parallel_loop3A_284 = vector.shape_cast %parallel_loop3A_283 : vector<1x16xf32> to vector<16xf32>
        %parallel_loop3A_285 = vector.shape_cast %parallel_loop3A_280 : vector<16xf32> to vector<1x16xf32>
        tpu.vector_store %arg8[%parallel_loop3A_281, %parallel_loop3A_282], %parallel_loop3A_285 {strides = array<i32>} : memref<128x128xf32, #tpu.memory_space<vmem>>, vector<1x16xf32>,
      } {sc.loop_unroll_factor = 1 : i64, sc.parallel_access}
      %add3A_128 = arith.addi %mul3A_2, %add3A_111 : i32
      %mul3A_129 = arith.constant 128 : i32
      %mul3A_130 = arith.muli %add3A_128, %mul3A_129 : i32
      %dma_start3A_131 = arith.constant 0 : i32
      %dma_start3A_132 = tpu.memref_slice %arg4[%mul3A_130, %dma_start3A_131] : memref<204800x128xf32, #tpu.memory_space<hbm>> -> memref<128x128xf32, #tpu.memory_space<hbm>>
      %dma_start3A_133 = arith.constant 0 : i32
      %dma_start3A_134 = tpu.memref_slice %arg4[%mul3A_130, %dma_start3A_133] : memref<204800x128xf32, #tpu.memory_space<hbm>> -> memref<128x128xf32, #tpu.memory_space<hbm>>
      tpu.enqueue_dma source(%arg8 : memref<128x128xf32, #tpu.memory_space<vmem>>) target(%dma_start3A_134 : memref<128x128xf32, #tpu.memory_space<hbm>>) target_semaphore(%arg18 : memref<!tpu.dma_semaphore, #tpu.memory_space<semaphore_mem>>)
      %mul3A_135 = arith.constant 5 : i32
      %mul3A_136 = arith.muli %mul3A_135, %scan3A_57 : i32
      %add3A_137 = arith.constant 3 : i32
      %add3A_138 = arith.addi %mul3A_136, %add3A_137 : i32
      %add3A_139 = arith.constant 3 : i32
      %add3A_140 = arith.addi %add3A_138, %add3A_139 : i32
      %lt3A_141 = arith.constant 50 : i32
      %lt3A_142 = arith.cmpi slt, %add3A_140, %lt3A_141 : i32
      %convert_element_type3A_143 = arith.extui %lt3A_142 : i1 to i32
      %cond3A_144 = arith.constant 0 : i32
      %cond3A_145 = arith.cmpi ne, %convert_element_type3A_143, %cond3A_144 : i32
      scf.if %cond3A_145 {
        %add3A_189 = arith.constant 3 : i32
        %add3A_190 = arith.addi %add3A_138, %add3A_189 : i32
        %ge3A = arith.constant 5 : i32
        %ge3A_191 = arith.cmpi sge, %add3A_190, %ge3A : i32
        %convert_element_type3A_192 = arith.extui %ge3A_191 : i1 to i32
        %cond3A_193 = arith.constant 0 : i32
        %cond3A_194 = arith.cmpi ne, %convert_element_type3A_192, %cond3A_193 : i32
        scf.if %cond3A_194 {
          %dma_wait3A_203 = arith.constant 0 : i32
          %dma_wait3A_204 = arith.constant 0 : i32
          %dma_wait3A_205 = tpu.memref_slice %arg4[%dma_wait3A_203, %dma_wait3A_204] : memref<204800x128xf32, #tpu.memory_space<hbm>> -> memref<128x128xf32, #tpu.memory_space<hbm>>
          %dma_wait3A_206 = arith.constant 0 : i32
          %dma_wait3A_207 = arith.constant 0 : i32
          %dma_wait3A_208 = tpu.memref_slice %arg4[%dma_wait3A_206, %dma_wait3A_207] : memref<204800x128xf32, #tpu.memory_space<hbm>> -> memref<128x128xf32, #tpu.memory_space<hbm>>
          tpu.wait_dma2 semaphore(%arg17 : memref<!tpu.dma_semaphore, #tpu.memory_space<semaphore_mem>>) src(%arg7 : memref<128x128xf32, #tpu.memory_space<vmem>>) dst(%dma_wait3A_208 : memref<128x128xf32, #tpu.memory_space<hbm>>)
        } else {
        }
        %add3A_195 = arith.constant 3 : i32
        %add3A_196 = arith.addi %add3A_138, %add3A_195 : i32
        %dma_start3A_197 = arith.constant 0 : i32
        %dma_start3A_198 = tpu.memref_slice %arg5[%add3A_196, %dma_start3A_197] : memref<50x128xi32, #tpu.memory_space<vmem>> -> memref<1x128xi32, #tpu.memory_space<vmem>>
        %dma_start3A_199 = tpu.memref_squeeze %dma_start3A_198 : memref<1x128xi32, #tpu.memory_space<vmem>> -> memref<128xi32, #tpu.memory_space<vmem>>
        %dma_start3A_200 = arith.constant 0 : i32
        %dma_start3A_201 = arith.constant 0 : i32
        %dma_start3A_202 = tpu.memref_slice %arg3[%dma_start3A_200, %dma_start3A_201] : memref<100000x128xf32, #tpu.memory_space<hbm>> -> memref<100000x128xf32, #tpu.memory_space<hbm>>
        tpu.enqueue_indirect_dma source(%dma_start3A_202 : memref<100000x128xf32, #tpu.memory_space<hbm>>) target(%arg7 : memref<128x128xf32, #tpu.memory_space<vmem>>) offsets(%dma_start3A_199 : memref<128xi32, #tpu.memory_space<vmem>>) semaphore(%arg12 : memref<!tpu.dma_semaphore, #tpu.memory_space<semaphore_mem>>)
      } else {
      }
      %dma_wait3A_146 = arith.constant 0 : i32
      %dma_wait3A_147 = tpu.memref_slice %arg5[%add3A_138, %dma_wait3A_146] : memref<50x128xi32, #tpu.memory_space<vmem>> -> memref<1x128xi32, #tpu.memory_space<vmem>>
      %dma_wait3A_148 = tpu.memref_squeeze %dma_wait3A_147 : memref<1x128xi32, #tpu.memory_space<vmem>> -> memref<128xi32, #tpu.memory_space<vmem>>
      %dma_wait3A_149 = arith.constant 0 : i32
      %dma_wait3A_150 = arith.constant 0 : i32
      %dma_wait3A_151 = tpu.memref_slice %arg3[%dma_wait3A_149, %dma_wait3A_150] : memref<100000x128xf32, #tpu.memory_space<hbm>> -> memref<100000x128xf32, #tpu.memory_space<hbm>>
      tpu.wait_indirect_dma semaphore(%arg14 : memref<!tpu.dma_semaphore, #tpu.memory_space<semaphore_mem>>) src(%dma_wait3A_151 : memref<100000x128xf32, #tpu.memory_space<hbm>>) dst(%arg9 : memref<128x128xf32, #tpu.memory_space<vmem>>)
      %parallel_loop3A_152 = arith.constant 0 : i32
      %parallel_loop3A_153 = arith.constant 128 : i32
      %parallel_loop3A_154 = arith.constant 1 : i32
      scf.for %parallel_loop3A_189 = %parallel_loop3A_152 to %parallel_loop3A_153 step %parallel_loop3A_154  : i32 {
        %parallel_loop3A_190 = arith.index_cast %parallel_loop3A_189 : i32 to index
        %parallel_loop3A_191 = arith.constant 0 : index
        %parallel_loop3A_192 = tpu.vector_load %arg9[%parallel_loop3A_190, %parallel_loop3A_191] {strides = array<i32>} : memref<128x128xf32, #tpu.memory_space<vmem>>, vector<1x16xf32>,
        %parallel_loop3A_193 = vector.shape_cast %parallel_loop3A_192 : vector<1x16xf32> to vector<16xf32>
        %parallel_loop3A_194 = arith.constant 11.3137083 : f32
        %parallel_loop3A_195 = vector.broadcast %parallel_loop3A_194 : f32 to vector<16xf32>
        %parallel_loop3A_196 = arith.mulf %parallel_loop3A_193, %parallel_loop3A_195 : vector<16xf32>
        %parallel_loop3A_197 = arith.index_cast %parallel_loop3A_189 : i32 to index
        %parallel_loop3A_198 = arith.constant 0 : index
        %parallel_loop3A_199 = tpu.vector_load %arg9[%parallel_loop3A_197, %parallel_loop3A_198] {strides = array<i32>} : memref<128x128xf32, #tpu.memory_space<vmem>>, vector<1x16xf32>,
        %parallel_loop3A_200 = vector.shape_cast %parallel_loop3A_199 : vector<1x16xf32> to vector<16xf32>
        %parallel_loop3A_201 = vector.shape_cast %parallel_loop3A_196 : vector<16xf32> to vector<1x16xf32>
        tpu.vector_store %arg9[%parallel_loop3A_197, %parallel_loop3A_198], %parallel_loop3A_201 {strides = array<i32>} : memref<128x128xf32, #tpu.memory_space<vmem>>, vector<1x16xf32>,
        %parallel_loop3A_202 = arith.index_cast %parallel_loop3A_189 : i32 to index
        %parallel_loop3A_203 = arith.constant 16 : index
        %parallel_loop3A_204 = tpu.vector_load %arg9[%parallel_loop3A_202, %parallel_loop3A_203] {strides = array<i32>} : memref<128x128xf32, #tpu.memory_space<vmem>>, vector<1x16xf32>,
        %parallel_loop3A_205 = vector.shape_cast %parallel_loop3A_204 : vector<1x16xf32> to vector<16xf32>
        %parallel_loop3A_206 = arith.constant 11.3137083 : f32
        %parallel_loop3A_207 = vector.broadcast %parallel_loop3A_206 : f32 to vector<16xf32>
        %parallel_loop3A_208 = arith.mulf %parallel_loop3A_205, %parallel_loop3A_207 : vector<16xf32>
        %parallel_loop3A_209 = arith.index_cast %parallel_loop3A_189 : i32 to index
        %parallel_loop3A_210 = arith.constant 16 : index
        %parallel_loop3A_211 = tpu.vector_load %arg9[%parallel_loop3A_209, %parallel_loop3A_210] {strides = array<i32>} : memref<128x128xf32, #tpu.memory_space<vmem>>, vector<1x16xf32>,
        %parallel_loop3A_212 = vector.shape_cast %parallel_loop3A_211 : vector<1x16xf32> to vector<16xf32>
        %parallel_loop3A_213 = vector.shape_cast %parallel_loop3A_208 : vector<16xf32> to vector<1x16xf32>
        tpu.vector_store %arg9[%parallel_loop3A_209, %parallel_loop3A_210], %parallel_loop3A_213 {strides = array<i32>} : memref<128x128xf32, #tpu.memory_space<vmem>>, vector<1x16xf32>,
        %parallel_loop3A_214 = arith.index_cast %parallel_loop3A_189 : i32 to index
        %parallel_loop3A_215 = arith.constant 32 : index
        %parallel_loop3A_216 = tpu.vector_load %arg9[%parallel_loop3A_214, %parallel_loop3A_215] {strides = array<i32>} : memref<128x128xf32, #tpu.memory_space<vmem>>, vector<1x16xf32>,
        %parallel_loop3A_217 = vector.shape_cast %parallel_loop3A_216 : vector<1x16xf32> to vector<16xf32>
        %parallel_loop3A_218 = arith.constant 11.3137083 : f32
        %parallel_loop3A_219 = vector.broadcast %parallel_loop3A_218 : f32 to vector<16xf32>
        %parallel_loop3A_220 = arith.mulf %parallel_loop3A_217, %parallel_loop3A_219 : vector<16xf32>
        %parallel_loop3A_221 = arith.index_cast %parallel_loop3A_189 : i32 to index
        %parallel_loop3A_222 = arith.constant 32 : index
        %parallel_loop3A_223 = tpu.vector_load %arg9[%parallel_loop3A_221, %parallel_loop3A_222] {strides = array<i32>} : memref<128x128xf32, #tpu.memory_space<vmem>>, vector<1x16xf32>,
        %parallel_loop3A_224 = vector.shape_cast %parallel_loop3A_223 : vector<1x16xf32> to vector<16xf32>
        %parallel_loop3A_225 = vector.shape_cast %parallel_loop3A_220 : vector<16xf32> to vector<1x16xf32>
        tpu.vector_store %arg9[%parallel_loop3A_221, %parallel_loop3A_222], %parallel_loop3A_225 {strides = array<i32>} : memref<128x128xf32, #tpu.memory_space<vmem>>, vector<1x16xf32>,
        %parallel_loop3A_226 = arith.index_cast %parallel_loop3A_189 : i32 to index
        %parallel_loop3A_227 = arith.constant 48 : index
        %parallel_loop3A_228 = tpu.vector_load %arg9[%parallel_loop3A_226, %parallel_loop3A_227] {strides = array<i32>} : memref<128x128xf32, #tpu.memory_space<vmem>>, vector<1x16xf32>,
        %parallel_loop3A_229 = vector.shape_cast %parallel_loop3A_228 : vector<1x16xf32> to vector<16xf32>
        %parallel_loop3A_230 = arith.constant 11.3137083 : f32
        %parallel_loop3A_231 = vector.broadcast %parallel_loop3A_230 : f32 to vector<16xf32>
        %parallel_loop3A_232 = arith.mulf %parallel_loop3A_229, %parallel_loop3A_231 : vector<16xf32>
        %parallel_loop3A_233 = arith.index_cast %parallel_loop3A_189 : i32 to index
        %parallel_loop3A_234 = arith.constant 48 : index
        %parallel_loop3A_235 = tpu.vector_load %arg9[%parallel_loop3A_233, %parallel_loop3A_234] {strides = array<i32>} : memref<128x128xf32, #tpu.memory_space<vmem>>, vector<1x16xf32>,
        %parallel_loop3A_236 = vector.shape_cast %parallel_loop3A_235 : vector<1x16xf32> to vector<16xf32>
        %parallel_loop3A_237 = vector.shape_cast %parallel_loop3A_232 : vector<16xf32> to vector<1x16xf32>
        tpu.vector_store %arg9[%parallel_loop3A_233, %parallel_loop3A_234], %parallel_loop3A_237 {strides = array<i32>} : memref<128x128xf32, #tpu.memory_space<vmem>>, vector<1x16xf32>,
        %parallel_loop3A_238 = arith.index_cast %parallel_loop3A_189 : i32 to index
        %parallel_loop3A_239 = arith.constant 64 : index
        %parallel_loop3A_240 = tpu.vector_load %arg9[%parallel_loop3A_238, %parallel_loop3A_239] {strides = array<i32>} : memref<128x128xf32, #tpu.memory_space<vmem>>, vector<1x16xf32>,
        %parallel_loop3A_241 = vector.shape_cast %parallel_loop3A_240 : vector<1x16xf32> to vector<16xf32>
        %parallel_loop3A_242 = arith.constant 11.3137083 : f32
        %parallel_loop3A_243 = vector.broadcast %parallel_loop3A_242 : f32 to vector<16xf32>
        %parallel_loop3A_244 = arith.mulf %parallel_loop3A_241, %parallel_loop3A_243 : vector<16xf32>
        %parallel_loop3A_245 = arith.index_cast %parallel_loop3A_189 : i32 to index
        %parallel_loop3A_246 = arith.constant 64 : index
        %parallel_loop3A_247 = tpu.vector_load %arg9[%parallel_loop3A_245, %parallel_loop3A_246] {strides = array<i32>} : memref<128x128xf32, #tpu.memory_space<vmem>>, vector<1x16xf32>,
        %parallel_loop3A_248 = vector.shape_cast %parallel_loop3A_247 : vector<1x16xf32> to vector<16xf32>
        %parallel_loop3A_249 = vector.shape_cast %parallel_loop3A_244 : vector<16xf32> to vector<1x16xf32>
        tpu.vector_store %arg9[%parallel_loop3A_245, %parallel_loop3A_246], %parallel_loop3A_249 {strides = array<i32>} : memref<128x128xf32, #tpu.memory_space<vmem>>, vector<1x16xf32>,
        %parallel_loop3A_250 = arith.index_cast %parallel_loop3A_189 : i32 to index
        %parallel_loop3A_251 = arith.constant 80 : index
        %parallel_loop3A_252 = tpu.vector_load %arg9[%parallel_loop3A_250, %parallel_loop3A_251] {strides = array<i32>} : memref<128x128xf32, #tpu.memory_space<vmem>>, vector<1x16xf32>,
        %parallel_loop3A_253 = vector.shape_cast %parallel_loop3A_252 : vector<1x16xf32> to vector<16xf32>
        %parallel_loop3A_254 = arith.constant 11.3137083 : f32
        %parallel_loop3A_255 = vector.broadcast %parallel_loop3A_254 : f32 to vector<16xf32>
        %parallel_loop3A_256 = arith.mulf %parallel_loop3A_253, %parallel_loop3A_255 : vector<16xf32>
        %parallel_loop3A_257 = arith.index_cast %parallel_loop3A_189 : i32 to index
        %parallel_loop3A_258 = arith.constant 80 : index
        %parallel_loop3A_259 = tpu.vector_load %arg9[%parallel_loop3A_257, %parallel_loop3A_258] {strides = array<i32>} : memref<128x128xf32, #tpu.memory_space<vmem>>, vector<1x16xf32>,
        %parallel_loop3A_260 = vector.shape_cast %parallel_loop3A_259 : vector<1x16xf32> to vector<16xf32>
        %parallel_loop3A_261 = vector.shape_cast %parallel_loop3A_256 : vector<16xf32> to vector<1x16xf32>
        tpu.vector_store %arg9[%parallel_loop3A_257, %parallel_loop3A_258], %parallel_loop3A_261 {strides = array<i32>} : memref<128x128xf32, #tpu.memory_space<vmem>>, vector<1x16xf32>,
        %parallel_loop3A_262 = arith.index_cast %parallel_loop3A_189 : i32 to index
        %parallel_loop3A_263 = arith.constant 96 : index
        %parallel_loop3A_264 = tpu.vector_load %arg9[%parallel_loop3A_262, %parallel_loop3A_263] {strides = array<i32>} : memref<128x128xf32, #tpu.memory_space<vmem>>, vector<1x16xf32>,
        %parallel_loop3A_265 = vector.shape_cast %parallel_loop3A_264 : vector<1x16xf32> to vector<16xf32>
        %parallel_loop3A_266 = arith.constant 11.3137083 : f32
        %parallel_loop3A_267 = vector.broadcast %parallel_loop3A_266 : f32 to vector<16xf32>
        %parallel_loop3A_268 = arith.mulf %parallel_loop3A_265, %parallel_loop3A_267 : vector<16xf32>
        %parallel_loop3A_269 = arith.index_cast %parallel_loop3A_189 : i32 to index
        %parallel_loop3A_270 = arith.constant 96 : index
        %parallel_loop3A_271 = tpu.vector_load %arg9[%parallel_loop3A_269, %parallel_loop3A_270] {strides = array<i32>} : memref<128x128xf32, #tpu.memory_space<vmem>>, vector<1x16xf32>,
        %parallel_loop3A_272 = vector.shape_cast %parallel_loop3A_271 : vector<1x16xf32> to vector<16xf32>
        %parallel_loop3A_273 = vector.shape_cast %parallel_loop3A_268 : vector<16xf32> to vector<1x16xf32>
        tpu.vector_store %arg9[%parallel_loop3A_269, %parallel_loop3A_270], %parallel_loop3A_273 {strides = array<i32>} : memref<128x128xf32, #tpu.memory_space<vmem>>, vector<1x16xf32>,
        %parallel_loop3A_274 = arith.index_cast %parallel_loop3A_189 : i32 to index
        %parallel_loop3A_275 = arith.constant 112 : index
        %parallel_loop3A_276 = tpu.vector_load %arg9[%parallel_loop3A_274, %parallel_loop3A_275] {strides = array<i32>} : memref<128x128xf32, #tpu.memory_space<vmem>>, vector<1x16xf32>,
        %parallel_loop3A_277 = vector.shape_cast %parallel_loop3A_276 : vector<1x16xf32> to vector<16xf32>
        %parallel_loop3A_278 = arith.constant 11.3137083 : f32
        %parallel_loop3A_279 = vector.broadcast %parallel_loop3A_278 : f32 to vector<16xf32>
        %parallel_loop3A_280 = arith.mulf %parallel_loop3A_277, %parallel_loop3A_279 : vector<16xf32>
        %parallel_loop3A_281 = arith.index_cast %parallel_loop3A_189 : i32 to index
        %parallel_loop3A_282 = arith.constant 112 : index
        %parallel_loop3A_283 = tpu.vector_load %arg9[%parallel_loop3A_281, %parallel_loop3A_282] {strides = array<i32>} : memref<128x128xf32, #tpu.memory_space<vmem>>, vector<1x16xf32>,
        %parallel_loop3A_284 = vector.shape_cast %parallel_loop3A_283 : vector<1x16xf32> to vector<16xf32>
        %parallel_loop3A_285 = vector.shape_cast %parallel_loop3A_280 : vector<16xf32> to vector<1x16xf32>
        tpu.vector_store %arg9[%parallel_loop3A_281, %parallel_loop3A_282], %parallel_loop3A_285 {strides = array<i32>} : memref<128x128xf32, #tpu.memory_space<vmem>>, vector<1x16xf32>,
      } {sc.loop_unroll_factor = 1 : i64, sc.parallel_access}
      %add3A_155 = arith.addi %mul3A_2, %add3A_138 : i32
      %mul3A_156 = arith.constant 128 : i32
      %mul3A_157 = arith.muli %add3A_155, %mul3A_156 : i32
      %dma_start3A_158 = arith.constant 0 : i32
      %dma_start3A_159 = tpu.memref_slice %arg4[%mul3A_157, %dma_start3A_158] : memref<204800x128xf32, #tpu.memory_space<hbm>> -> memref<128x128xf32, #tpu.memory_space<hbm>>
      %dma_start3A_160 = arith.constant 0 : i32
      %dma_start3A_161 = tpu.memref_slice %arg4[%mul3A_157, %dma_start3A_160] : memref<204800x128xf32, #tpu.memory_space<hbm>> -> memref<128x128xf32, #tpu.memory_space<hbm>>
      tpu.enqueue_dma source(%arg9 : memref<128x128xf32, #tpu.memory_space<vmem>>) target(%dma_start3A_161 : memref<128x128xf32, #tpu.memory_space<hbm>>) target_semaphore(%arg19 : memref<!tpu.dma_semaphore, #tpu.memory_space<semaphore_mem>>)
      %mul3A_162 = arith.constant 5 : i32
      %mul3A_163 = arith.muli %mul3A_162, %scan3A_57 : i32
      %add3A_164 = arith.constant 4 : i32
      %add3A_165 = arith.addi %mul3A_163, %add3A_164 : i32
      %add3A_166 = arith.constant 3 : i32
      %add3A_167 = arith.addi %add3A_165, %add3A_166 : i32
      %lt3A_168 = arith.constant 50 : i32
      %lt3A_169 = arith.cmpi slt, %add3A_167, %lt3A_168 : i32
      %convert_element_type3A_170 = arith.extui %lt3A_169 : i1 to i32
      %cond3A_171 = arith.constant 0 : i32
      %cond3A_172 = arith.cmpi ne, %convert_element_type3A_170, %cond3A_171 : i32
      scf.if %cond3A_172 {
        %add3A_189 = arith.constant 3 : i32
        %add3A_190 = arith.addi %add3A_165, %add3A_189 : i32
        %ge3A = arith.constant 5 : i32
        %ge3A_191 = arith.cmpi sge, %add3A_190, %ge3A : i32
        %convert_element_type3A_192 = arith.extui %ge3A_191 : i1 to i32
        %cond3A_193 = arith.constant 0 : i32
        %cond3A_194 = arith.cmpi ne, %convert_element_type3A_192, %cond3A_193 : i32
        scf.if %cond3A_194 {
          %dma_wait3A_203 = arith.constant 0 : i32
          %dma_wait3A_204 = arith.constant 0 : i32
          %dma_wait3A_205 = tpu.memref_slice %arg4[%dma_wait3A_203, %dma_wait3A_204] : memref<204800x128xf32, #tpu.memory_space<hbm>> -> memref<128x128xf32, #tpu.memory_space<hbm>>
          %dma_wait3A_206 = arith.constant 0 : i32
          %dma_wait3A_207 = arith.constant 0 : i32
          %dma_wait3A_208 = tpu.memref_slice %arg4[%dma_wait3A_206, %dma_wait3A_207] : memref<204800x128xf32, #tpu.memory_space<hbm>> -> memref<128x128xf32, #tpu.memory_space<hbm>>
          tpu.wait_dma2 semaphore(%arg18 : memref<!tpu.dma_semaphore, #tpu.memory_space<semaphore_mem>>) src(%arg8 : memref<128x128xf32, #tpu.memory_space<vmem>>) dst(%dma_wait3A_208 : memref<128x128xf32, #tpu.memory_space<hbm>>)
        } else {
        }
        %add3A_195 = arith.constant 3 : i32
        %add3A_196 = arith.addi %add3A_165, %add3A_195 : i32
        %dma_start3A_197 = arith.constant 0 : i32
        %dma_start3A_198 = tpu.memref_slice %arg5[%add3A_196, %dma_start3A_197] : memref<50x128xi32, #tpu.memory_space<vmem>> -> memref<1x128xi32, #tpu.memory_space<vmem>>
        %dma_start3A_199 = tpu.memref_squeeze %dma_start3A_198 : memref<1x128xi32, #tpu.memory_space<vmem>> -> memref<128xi32, #tpu.memory_space<vmem>>
        %dma_start3A_200 = arith.constant 0 : i32
        %dma_start3A_201 = arith.constant 0 : i32
        %dma_start3A_202 = tpu.memref_slice %arg3[%dma_start3A_200, %dma_start3A_201] : memref<100000x128xf32, #tpu.memory_space<hbm>> -> memref<100000x128xf32, #tpu.memory_space<hbm>>
        tpu.enqueue_indirect_dma source(%dma_start3A_202 : memref<100000x128xf32, #tpu.memory_space<hbm>>) target(%arg8 : memref<128x128xf32, #tpu.memory_space<vmem>>) offsets(%dma_start3A_199 : memref<128xi32, #tpu.memory_space<vmem>>) semaphore(%arg13 : memref<!tpu.dma_semaphore, #tpu.memory_space<semaphore_mem>>)
      } else {
      }
      %dma_wait3A_173 = arith.constant 0 : i32
      %dma_wait3A_174 = tpu.memref_slice %arg5[%add3A_165, %dma_wait3A_173] : memref<50x128xi32, #tpu.memory_space<vmem>> -> memref<1x128xi32, #tpu.memory_space<vmem>>
      %dma_wait3A_175 = tpu.memref_squeeze %dma_wait3A_174 : memref<1x128xi32, #tpu.memory_space<vmem>> -> memref<128xi32, #tpu.memory_space<vmem>>
      %dma_wait3A_176 = arith.constant 0 : i32
      %dma_wait3A_177 = arith.constant 0 : i32
      %dma_wait3A_178 = tpu.memref_slice %arg3[%dma_wait3A_176, %dma_wait3A_177] : memref<100000x128xf32, #tpu.memory_space<hbm>> -> memref<100000x128xf32, #tpu.memory_space<hbm>>
      tpu.wait_indirect_dma semaphore(%arg15 : memref<!tpu.dma_semaphore, #tpu.memory_space<semaphore_mem>>) src(%dma_wait3A_178 : memref<100000x128xf32, #tpu.memory_space<hbm>>) dst(%arg10 : memref<128x128xf32, #tpu.memory_space<vmem>>)
      %parallel_loop3A_179 = arith.constant 0 : i32
      %parallel_loop3A_180 = arith.constant 128 : i32
      %parallel_loop3A_181 = arith.constant 1 : i32
      scf.for %parallel_loop3A_189 = %parallel_loop3A_179 to %parallel_loop3A_180 step %parallel_loop3A_181  : i32 {
        %parallel_loop3A_190 = arith.index_cast %parallel_loop3A_189 : i32 to index
        %parallel_loop3A_191 = arith.constant 0 : index
        %parallel_loop3A_192 = tpu.vector_load %arg10[%parallel_loop3A_190, %parallel_loop3A_191] {strides = array<i32>} : memref<128x128xf32, #tpu.memory_space<vmem>>, vector<1x16xf32>,
        %parallel_loop3A_193 = vector.shape_cast %parallel_loop3A_192 : vector<1x16xf32> to vector<16xf32>
        %parallel_loop3A_194 = arith.constant 11.3137083 : f32
        %parallel_loop3A_195 = vector.broadcast %parallel_loop3A_194 : f32 to vector<16xf32>
        %parallel_loop3A_196 = arith.mulf %parallel_loop3A_193, %parallel_loop3A_195 : vector<16xf32>
        %parallel_loop3A_197 = arith.index_cast %parallel_loop3A_189 : i32 to index
        %parallel_loop3A_198 = arith.constant 0 : index
        %parallel_loop3A_199 = tpu.vector_load %arg10[%parallel_loop3A_197, %parallel_loop3A_198] {strides = array<i32>} : memref<128x128xf32, #tpu.memory_space<vmem>>, vector<1x16xf32>,
        %parallel_loop3A_200 = vector.shape_cast %parallel_loop3A_199 : vector<1x16xf32> to vector<16xf32>
        %parallel_loop3A_201 = vector.shape_cast %parallel_loop3A_196 : vector<16xf32> to vector<1x16xf32>
        tpu.vector_store %arg10[%parallel_loop3A_197, %parallel_loop3A_198], %parallel_loop3A_201 {strides = array<i32>} : memref<128x128xf32, #tpu.memory_space<vmem>>, vector<1x16xf32>,
        %parallel_loop3A_202 = arith.index_cast %parallel_loop3A_189 : i32 to index
        %parallel_loop3A_203 = arith.constant 16 : index
        %parallel_loop3A_204 = tpu.vector_load %arg10[%parallel_loop3A_202, %parallel_loop3A_203] {strides = array<i32>} : memref<128x128xf32, #tpu.memory_space<vmem>>, vector<1x16xf32>,
        %parallel_loop3A_205 = vector.shape_cast %parallel_loop3A_204 : vector<1x16xf32> to vector<16xf32>
        %parallel_loop3A_206 = arith.constant 11.3137083 : f32
        %parallel_loop3A_207 = vector.broadcast %parallel_loop3A_206 : f32 to vector<16xf32>
        %parallel_loop3A_208 = arith.mulf %parallel_loop3A_205, %parallel_loop3A_207 : vector<16xf32>
        %parallel_loop3A_209 = arith.index_cast %parallel_loop3A_189 : i32 to index
        %parallel_loop3A_210 = arith.constant 16 : index
        %parallel_loop3A_211 = tpu.vector_load %arg10[%parallel_loop3A_209, %parallel_loop3A_210] {strides = array<i32>} : memref<128x128xf32, #tpu.memory_space<vmem>>, vector<1x16xf32>,
        %parallel_loop3A_212 = vector.shape_cast %parallel_loop3A_211 : vector<1x16xf32> to vector<16xf32>
        %parallel_loop3A_213 = vector.shape_cast %parallel_loop3A_208 : vector<16xf32> to vector<1x16xf32>
        tpu.vector_store %arg10[%parallel_loop3A_209, %parallel_loop3A_210], %parallel_loop3A_213 {strides = array<i32>} : memref<128x128xf32, #tpu.memory_space<vmem>>, vector<1x16xf32>,
        %parallel_loop3A_214 = arith.index_cast %parallel_loop3A_189 : i32 to index
        %parallel_loop3A_215 = arith.constant 32 : index
        %parallel_loop3A_216 = tpu.vector_load %arg10[%parallel_loop3A_214, %parallel_loop3A_215] {strides = array<i32>} : memref<128x128xf32, #tpu.memory_space<vmem>>, vector<1x16xf32>,
        %parallel_loop3A_217 = vector.shape_cast %parallel_loop3A_216 : vector<1x16xf32> to vector<16xf32>
        %parallel_loop3A_218 = arith.constant 11.3137083 : f32
        %parallel_loop3A_219 = vector.broadcast %parallel_loop3A_218 : f32 to vector<16xf32>
        %parallel_loop3A_220 = arith.mulf %parallel_loop3A_217, %parallel_loop3A_219 : vector<16xf32>
        %parallel_loop3A_221 = arith.index_cast %parallel_loop3A_189 : i32 to index
        %parallel_loop3A_222 = arith.constant 32 : index
        %parallel_loop3A_223 = tpu.vector_load %arg10[%parallel_loop3A_221, %parallel_loop3A_222] {strides = array<i32>} : memref<128x128xf32, #tpu.memory_space<vmem>>, vector<1x16xf32>,
        %parallel_loop3A_224 = vector.shape_cast %parallel_loop3A_223 : vector<1x16xf32> to vector<16xf32>
        %parallel_loop3A_225 = vector.shape_cast %parallel_loop3A_220 : vector<16xf32> to vector<1x16xf32>
        tpu.vector_store %arg10[%parallel_loop3A_221, %parallel_loop3A_222], %parallel_loop3A_225 {strides = array<i32>} : memref<128x128xf32, #tpu.memory_space<vmem>>, vector<1x16xf32>,
        %parallel_loop3A_226 = arith.index_cast %parallel_loop3A_189 : i32 to index
        %parallel_loop3A_227 = arith.constant 48 : index
        %parallel_loop3A_228 = tpu.vector_load %arg10[%parallel_loop3A_226, %parallel_loop3A_227] {strides = array<i32>} : memref<128x128xf32, #tpu.memory_space<vmem>>, vector<1x16xf32>,
        %parallel_loop3A_229 = vector.shape_cast %parallel_loop3A_228 : vector<1x16xf32> to vector<16xf32>
        %parallel_loop3A_230 = arith.constant 11.3137083 : f32
        %parallel_loop3A_231 = vector.broadcast %parallel_loop3A_230 : f32 to vector<16xf32>
        %parallel_loop3A_232 = arith.mulf %parallel_loop3A_229, %parallel_loop3A_231 : vector<16xf32>
        %parallel_loop3A_233 = arith.index_cast %parallel_loop3A_189 : i32 to index
        %parallel_loop3A_234 = arith.constant 48 : index
        %parallel_loop3A_235 = tpu.vector_load %arg10[%parallel_loop3A_233, %parallel_loop3A_234] {strides = array<i32>} : memref<128x128xf32, #tpu.memory_space<vmem>>, vector<1x16xf32>,
        %parallel_loop3A_236 = vector.shape_cast %parallel_loop3A_235 : vector<1x16xf32> to vector<16xf32>
        %parallel_loop3A_237 = vector.shape_cast %parallel_loop3A_232 : vector<16xf32> to vector<1x16xf32>
        tpu.vector_store %arg10[%parallel_loop3A_233, %parallel_loop3A_234], %parallel_loop3A_237 {strides = array<i32>} : memref<128x128xf32, #tpu.memory_space<vmem>>, vector<1x16xf32>,
        %parallel_loop3A_238 = arith.index_cast %parallel_loop3A_189 : i32 to index
        %parallel_loop3A_239 = arith.constant 64 : index
        %parallel_loop3A_240 = tpu.vector_load %arg10[%parallel_loop3A_238, %parallel_loop3A_239] {strides = array<i32>} : memref<128x128xf32, #tpu.memory_space<vmem>>, vector<1x16xf32>,
        %parallel_loop3A_241 = vector.shape_cast %parallel_loop3A_240 : vector<1x16xf32> to vector<16xf32>
        %parallel_loop3A_242 = arith.constant 11.3137083 : f32
        %parallel_loop3A_243 = vector.broadcast %parallel_loop3A_242 : f32 to vector<16xf32>
        %parallel_loop3A_244 = arith.mulf %parallel_loop3A_241, %parallel_loop3A_243 : vector<16xf32>
        %parallel_loop3A_245 = arith.index_cast %parallel_loop3A_189 : i32 to index
        %parallel_loop3A_246 = arith.constant 64 : index
        %parallel_loop3A_247 = tpu.vector_load %arg10[%parallel_loop3A_245, %parallel_loop3A_246] {strides = array<i32>} : memref<128x128xf32, #tpu.memory_space<vmem>>, vector<1x16xf32>,
        %parallel_loop3A_248 = vector.shape_cast %parallel_loop3A_247 : vector<1x16xf32> to vector<16xf32>
        %parallel_loop3A_249 = vector.shape_cast %parallel_loop3A_244 : vector<16xf32> to vector<1x16xf32>
        tpu.vector_store %arg10[%parallel_loop3A_245, %parallel_loop3A_246], %parallel_loop3A_249 {strides = array<i32>} : memref<128x128xf32, #tpu.memory_space<vmem>>, vector<1x16xf32>,
        %parallel_loop3A_250 = arith.index_cast %parallel_loop3A_189 : i32 to index
        %parallel_loop3A_251 = arith.constant 80 : index
        %parallel_loop3A_252 = tpu.vector_load %arg10[%parallel_loop3A_250, %parallel_loop3A_251] {strides = array<i32>} : memref<128x128xf32, #tpu.memory_space<vmem>>, vector<1x16xf32>,
        %parallel_loop3A_253 = vector.shape_cast %parallel_loop3A_252 : vector<1x16xf32> to vector<16xf32>
        %parallel_loop3A_254 = arith.constant 11.3137083 : f32
        %parallel_loop3A_255 = vector.broadcast %parallel_loop3A_254 : f32 to vector<16xf32>
        %parallel_loop3A_256 = arith.mulf %parallel_loop3A_253, %parallel_loop3A_255 : vector<16xf32>
        %parallel_loop3A_257 = arith.index_cast %parallel_loop3A_189 : i32 to index
        %parallel_loop3A_258 = arith.constant 80 : index
        %parallel_loop3A_259 = tpu.vector_load %arg10[%parallel_loop3A_257, %parallel_loop3A_258] {strides = array<i32>} : memref<128x128xf32, #tpu.memory_space<vmem>>, vector<1x16xf32>,
        %parallel_loop3A_260 = vector.shape_cast %parallel_loop3A_259 : vector<1x16xf32> to vector<16xf32>
        %parallel_loop3A_261 = vector.shape_cast %parallel_loop3A_256 : vector<16xf32> to vector<1x16xf32>
        tpu.vector_store %arg10[%parallel_loop3A_257, %parallel_loop3A_258], %parallel_loop3A_261 {strides = array<i32>} : memref<128x128xf32, #tpu.memory_space<vmem>>, vector<1x16xf32>,
        %parallel_loop3A_262 = arith.index_cast %parallel_loop3A_189 : i32 to index
        %parallel_loop3A_263 = arith.constant 96 : index
        %parallel_loop3A_264 = tpu.vector_load %arg10[%parallel_loop3A_262, %parallel_loop3A_263] {strides = array<i32>} : memref<128x128xf32, #tpu.memory_space<vmem>>, vector<1x16xf32>,
        %parallel_loop3A_265 = vector.shape_cast %parallel_loop3A_264 : vector<1x16xf32> to vector<16xf32>
        %parallel_loop3A_266 = arith.constant 11.3137083 : f32
        %parallel_loop3A_267 = vector.broadcast %parallel_loop3A_266 : f32 to vector<16xf32>
        %parallel_loop3A_268 = arith.mulf %parallel_loop3A_265, %parallel_loop3A_267 : vector<16xf32>
        %parallel_loop3A_269 = arith.index_cast %parallel_loop3A_189 : i32 to index
        %parallel_loop3A_270 = arith.constant 96 : index
        %parallel_loop3A_271 = tpu.vector_load %arg10[%parallel_loop3A_269, %parallel_loop3A_270] {strides = array<i32>} : memref<128x128xf32, #tpu.memory_space<vmem>>, vector<1x16xf32>,
        %parallel_loop3A_272 = vector.shape_cast %parallel_loop3A_271 : vector<1x16xf32> to vector<16xf32>
        %parallel_loop3A_273 = vector.shape_cast %parallel_loop3A_268 : vector<16xf32> to vector<1x16xf32>
        tpu.vector_store %arg10[%parallel_loop3A_269, %parallel_loop3A_270], %parallel_loop3A_273 {strides = array<i32>} : memref<128x128xf32, #tpu.memory_space<vmem>>, vector<1x16xf32>,
        %parallel_loop3A_274 = arith.index_cast %parallel_loop3A_189 : i32 to index
        %parallel_loop3A_275 = arith.constant 112 : index
        %parallel_loop3A_276 = tpu.vector_load %arg10[%parallel_loop3A_274, %parallel_loop3A_275] {strides = array<i32>} : memref<128x128xf32, #tpu.memory_space<vmem>>, vector<1x16xf32>,
        %parallel_loop3A_277 = vector.shape_cast %parallel_loop3A_276 : vector<1x16xf32> to vector<16xf32>
        %parallel_loop3A_278 = arith.constant 11.3137083 : f32
        %parallel_loop3A_279 = vector.broadcast %parallel_loop3A_278 : f32 to vector<16xf32>
        %parallel_loop3A_280 = arith.mulf %parallel_loop3A_277, %parallel_loop3A_279 : vector<16xf32>
        %parallel_loop3A_281 = arith.index_cast %parallel_loop3A_189 : i32 to index
        %parallel_loop3A_282 = arith.constant 112 : index
        %parallel_loop3A_283 = tpu.vector_load %arg10[%parallel_loop3A_281, %parallel_loop3A_282] {strides = array<i32>} : memref<128x128xf32, #tpu.memory_space<vmem>>, vector<1x16xf32>,
        %parallel_loop3A_284 = vector.shape_cast %parallel_loop3A_283 : vector<1x16xf32> to vector<16xf32>
        %parallel_loop3A_285 = vector.shape_cast %parallel_loop3A_280 : vector<16xf32> to vector<1x16xf32>
        tpu.vector_store %arg10[%parallel_loop3A_281, %parallel_loop3A_282], %parallel_loop3A_285 {strides = array<i32>} : memref<128x128xf32, #tpu.memory_space<vmem>>, vector<1x16xf32>,
      } {sc.loop_unroll_factor = 1 : i64, sc.parallel_access}
      %add3A_182 = arith.addi %mul3A_2, %add3A_165 : i32
      %mul3A_183 = arith.constant 128 : i32
      %mul3A_184 = arith.muli %add3A_182, %mul3A_183 : i32
      %dma_start3A_185 = arith.constant 0 : i32
      %dma_start3A_186 = tpu.memref_slice %arg4[%mul3A_184, %dma_start3A_185] : memref<204800x128xf32, #tpu.memory_space<hbm>> -> memref<128x128xf32, #tpu.memory_space<hbm>>
      %dma_start3A_187 = arith.constant 0 : i32
      %dma_start3A_188 = tpu.memref_slice %arg4[%mul3A_184, %dma_start3A_187] : memref<204800x128xf32, #tpu.memory_space<hbm>> -> memref<128x128xf32, #tpu.memory_space<hbm>>
      tpu.enqueue_dma source(%arg10 : memref<128x128xf32, #tpu.memory_space<vmem>>) target(%dma_start3A_188 : memref<128x128xf32, #tpu.memory_space<hbm>>) target_semaphore(%arg20 : memref<!tpu.dma_semaphore, #tpu.memory_space<semaphore_mem>>)
    }
    %scan3A_27 = arith.constant 10 : i32
    %dma_wait3A = arith.constant 0 : i32
    %dma_wait3A_28 = arith.constant 0 : i32
    %dma_wait3A_29 = tpu.memref_slice %arg4[%dma_wait3A, %dma_wait3A_28] : memref<204800x128xf32, #tpu.memory_space<hbm>> -> memref<128x128xf32, #tpu.memory_space<hbm>>
    %dma_wait3A_30 = arith.constant 0 : i32
    %dma_wait3A_31 = arith.constant 0 : i32
    %dma_wait3A_32 = tpu.memref_slice %arg4[%dma_wait3A_30, %dma_wait3A_31] : memref<204800x128xf32, #tpu.memory_space<hbm>> -> memref<128x128xf32, #tpu.memory_space<hbm>>
    tpu.wait_dma2 semaphore(%arg16 : memref<!tpu.dma_semaphore, #tpu.memory_space<semaphore_mem>>) src(%arg6 : memref<128x128xf32, #tpu.memory_space<vmem>>) dst(%dma_wait3A_32 : memref<128x128xf32, #tpu.memory_space<hbm>>)
    %dma_wait3A_33 = arith.constant 0 : i32
    %dma_wait3A_34 = arith.constant 0 : i32
    %dma_wait3A_35 = tpu.memref_slice %arg4[%dma_wait3A_33, %dma_wait3A_34] : memref<204800x128xf32, #tpu.memory_space<hbm>> -> memref<128x128xf32, #tpu.memory_space<hbm>>
    %dma_wait3A_36 = arith.constant 0 : i32
    %dma_wait3A_37 = arith.constant 0 : i32
    %dma_wait3A_38 = tpu.memref_slice %arg4[%dma_wait3A_36, %dma_wait3A_37] : memref<204800x128xf32, #tpu.memory_space<hbm>> -> memref<128x128xf32, #tpu.memory_space<hbm>>
    tpu.wait_dma2 semaphore(%arg17 : memref<!tpu.dma_semaphore, #tpu.memory_space<semaphore_mem>>) src(%arg7 : memref<128x128xf32, #tpu.memory_space<vmem>>) dst(%dma_wait3A_38 : memref<128x128xf32, #tpu.memory_space<hbm>>)
    %dma_wait3A_39 = arith.constant 0 : i32
    %dma_wait3A_40 = arith.constant 0 : i32
    %dma_wait3A_41 = tpu.memref_slice %arg4[%dma_wait3A_39, %dma_wait3A_40] : memref<204800x128xf32, #tpu.memory_space<hbm>> -> memref<128x128xf32, #tpu.memory_space<hbm>>
    %dma_wait3A_42 = arith.constant 0 : i32
    %dma_wait3A_43 = arith.constant 0 : i32
    %dma_wait3A_44 = tpu.memref_slice %arg4[%dma_wait3A_42, %dma_wait3A_43] : memref<204800x128xf32, #tpu.memory_space<hbm>> -> memref<128x128xf32, #tpu.memory_space<hbm>>
    tpu.wait_dma2 semaphore(%arg18 : memref<!tpu.dma_semaphore, #tpu.memory_space<semaphore_mem>>) src(%arg8 : memref<128x128xf32, #tpu.memory_space<vmem>>) dst(%dma_wait3A_44 : memref<128x128xf32, #tpu.memory_space<hbm>>)
    %dma_wait3A_45 = arith.constant 0 : i32
    %dma_wait3A_46 = arith.constant 0 : i32
    %dma_wait3A_47 = tpu.memref_slice %arg4[%dma_wait3A_45, %dma_wait3A_46] : memref<204800x128xf32, #tpu.memory_space<hbm>> -> memref<128x128xf32, #tpu.memory_space<hbm>>
    %dma_wait3A_48 = arith.constant 0 : i32
    %dma_wait3A_49 = arith.constant 0 : i32
    %dma_wait3A_50 = tpu.memref_slice %arg4[%dma_wait3A_48, %dma_wait3A_49] : memref<204800x128xf32, #tpu.memory_space<hbm>> -> memref<128x128xf32, #tpu.memory_space<hbm>>
    tpu.wait_dma2 semaphore(%arg19 : memref<!tpu.dma_semaphore, #tpu.memory_space<semaphore_mem>>) src(%arg9 : memref<128x128xf32, #tpu.memory_space<vmem>>) dst(%dma_wait3A_50 : memref<128x128xf32, #tpu.memory_space<hbm>>)
    %dma_wait3A_51 = arith.constant 0 : i32
    %dma_wait3A_52 = arith.constant 0 : i32
    %dma_wait3A_53 = tpu.memref_slice %arg4[%dma_wait3A_51, %dma_wait3A_52] : memref<204800x128xf32, #tpu.memory_space<hbm>> -> memref<128x128xf32, #tpu.memory_space<hbm>>
    %dma_wait3A_54 = arith.constant 0 : i32
    %dma_wait3A_55 = arith.constant 0 : i32
    %dma_wait3A_56 = tpu.memref_slice %arg4[%dma_wait3A_54, %dma_wait3A_55] : memref<204800x128xf32, #tpu.memory_space<hbm>> -> memref<128x128xf32, #tpu.memory_space<hbm>>
    tpu.wait_dma2 semaphore(%arg20 : memref<!tpu.dma_semaphore, #tpu.memory_space<semaphore_mem>>) src(%arg10 : memref<128x128xf32, #tpu.memory_space<vmem>>) dst(%dma_wait3A_56 : memref<128x128xf32, #tpu.memory_space<hbm>>)
    return
  }
}

</mosaic_0001>

<sc_bundles>
// kernel: _lookup.3.cloned.1.call-start
scs
__scs_entry_jumppad:
0x0: {  	(pc) =	sbr.rel $0x88, $3  }
0x1: {  	(tag) =	ssettag $0x0;
	lr =	simm.s32 $0x1  }
0x2: {  	[smem:$0x3F9F] =	sst lr;
	_ =	strace $0xD0000000  }
0x3: {  	_ = 	snop  }
0x4: {  	_ = 	snop  }
0x5: {  	_ = 	snop  }
0x6: {  	_ = 	snop  }
0x7: {  	_ = 	snop  }
__scs_overlays_trampoline_lowered:
0x8: {  	[smem:$0x3FAE] =	sst s0  }
0x9: {  	[smem:$0x3FAF] =	sst s1  }
0xa: {  	[smem:$0x3FB0] =	sst s2  }
0xb: {  	[smem:$0x3FB1] =	sst s3  }
0xc: {  	[smem:$0x3FB2] =	sst s4  }
0xd: {  	[smem:$0x3FB3] =	sst s5  }
0xe: {  	[smem:$0x3FB4] =	sst s6  }
0xf: {  	[smem:$0x3FB5] =	sst s7  }
0x10: {  	[smem:$0x3FB6] =	sst s8  }
0x11: {  	[smem:$0x3FB7] =	sst s9;
	s0 =	simm.s32 @!p0 $0x0  }
0x12: {  	s1 =	sld [smem:$0x3F9D];
	s0 =	simm.s32 @p0 $0x1  }
0x13: {  	[smem:$0x3FB8] =	sst s0;
	s0 =	simm.s32 @!p1 $0x0  }
0x14: {  	s2 =	sld [smem:$0x3F9C];
	s0 =	simm.s32 @p1 $0x1  }
0x15: {  	[smem:$0x3FB9] =	sst s0;
	s0 =	simm.s32 @!p2 $0x0  }
0x16: {  	s3 =	sld [smem:$0x3FDB];
	s0 =	simm.s32 @p2 $0x1  }
0x17: {  	s4 =	simm.s32 $0x1BF5;
	[smem:$0x3FBB] =	sst s0  }
0x18: {  	s0 =	sld [smem:$0x3F9E];
	_ =	swait.ge [sflag:s4], $0x0  }
0x19: {  	s7 =	sld [smem:$0x3F9F]  }
0x1a: {  	s8 =	sadd.s32 $0xFFFFE003, lr  }
0x1b: {  	s9 =	sadd.s32 $0xFFFFFEF7, lr;
	s5 =	simm.s32 $0xFFFFFFFF;
	p2 =	slt.u32 s8, $0xFFFFF086  }
0x1c: {  	p1 =	slt.u32 s9, $0xF7A;
	s5 =	simm.s32 @!p2 $0x0  }
0x1d: {  	s5 =	simm.s32 @p1 $0x1;
	p0 =	seq.s32 s7, s2  }
0x1e: {  	s7 =	smul.u32 @!p0 $0xF7A, s2;
	p2 =	seq.s32 @!p0 s5, $0x0  }
0x1f: {  	s9 =	smul.u32 $0xF7A, s1;
	s8 =	simm.s32 @!p0 $0x1BF5;
	p2 =	por !p2, p0  }
0x20: {  	[sflag:s8] =	ssyncset.s32 @!p0 $0xFFFFF086;
	s6 =	sadd.s32 @!p0 s3, s7;
	s7 =	simm.s32 @!p0 $0x108  }
0x21: {  	s3 =	sadd.s32 s3, s9;
	s6 =	sadd.s32 @!p0 $0x88, s6;
	s7 =	simm.s32 @p2 $0x1082  }
0x22: {  	[simem:s7], [sflag:s8] =	dma.local @!p0 [hbm:s6], $0xF7A  }
0x23: {  	s9 =	sor.u32 $0xD0000000, s2;
	s6 =	simm.s32 $0x108;
	_ =	swait.ge @!p0 [sflag:s8], $0x0  }
0x24: {  	s3 =	sadd.s32 $0x88, s3;
	s6 =	simm.s32 @!p1 $0x1082;
	[sflag:s4] =	ssyncset.s32 $0xFFFFF086  }
0x25: {  	[simem:s6], [sflag:s4] =	dma.local [hbm:s3], $0xF7A  }
0x26: {  	[smem:$0x3F9F] =	sst s1;
	(tag) =	ssettag s2;
	_ =	strace s9  }
0x27: {  	s1 =	sld [smem:$0x3FAF]  }
0x28: {  	s2 =	sld [smem:$0x3FB0]  }
0x29: {  	s4 =	sld [smem:$0x3FB2]  }
0x2a: {  	p0 =	seq.s32 s5, $0x0;
	s5 =	sld [smem:$0x3FB3]  }
0x2b: {  	s6 =	sld [smem:$0x3FB4]  }
0x2c: {  	s7 =	sld [smem:$0x3FB5]  }
0x2d: {  	s3 =	simm.s32 $0x108;
	s8 =	sld [smem:$0x3FB6]  }
0x2e: {  	s3 =	simm.s32 @!p0 $0x1082;
	s9 =	sld [smem:$0x3FB7]  }
0x2f: {  	lr =	sadd.s32 s0, s3;
	s0 =	sld [smem:$0x3FAE]  }
0x30: {  	s3 =	sld [smem:$0x3FB1]  }
0x31: {  	[smem:$0x3FBA] =	sst s10  }
0x32: {  	s10 =	sld [smem:$0x3FB8];
	_ =	sdelay $0x3  }
0x33: {  	p0 =	seq.s32 s10, $0x1;
	s10 =	sld [smem:$0x3FBA];
	_ =	sdelay $0x3  }
0x34: {  	[smem:$0x3FBA] =	sst s10  }
0x35: {  	s10 =	sld [smem:$0x3FB9];
	_ =	sdelay $0x3  }
0x36: {  	p1 =	seq.s32 s10, $0x1;
	s10 =	sld [smem:$0x3FBA];
	_ =	sdelay $0x3  }
0x37: {  	[smem:$0x3FBA] =	sst s10  }
0x38: {  	s10 =	sld [smem:$0x3FBB]  }
0x39: {  	_ = 	snop;
	(pc) =	sbr.ind lr, $3  }
0x3a: {  	_ = 	snop  }
0x3b: {  	_ = 	snop  }
0x3c: {  	p2 =	seq.s32 s10, $0x1;
	s10 =	sld [smem:$0x3FBA]  }
0x3d: {  	_ =	shalt  }
0x3e: {  	_ =	shalt  }
0x3f: {  	_ =	shalt  }
0x40: {  	_ =	shalt  }
0x41: {  	_ =	shalt  }
0x42: {  	_ =	shalt  }
0x43: {  	_ =	shalt  }
0x44: {  	_ =	shalt  }
0x45: {  	_ =	shalt  }
0x46: {  	_ =	shalt  }
0x47: {  	_ =	shalt  }
0x48: {  	_ =	shalt  }
0x49: {  	_ =	shalt  }
0x4a: {  	_ =	shalt  }
0x4b: {  	_ =	shalt  }
0x4c: {  	_ =	shalt  }
0x4d: {  	_ =	shalt  }
0x4e: {  	_ =	shalt  }
0x4f: {  	_ =	shalt  }
0x50: {  	_ =	shalt  }
0x51: {  	_ =	shalt  }
0x52: {  	_ =	shalt  }
0x53: {  	_ =	shalt  }
0x54: {  	_ =	shalt  }
0x55: {  	_ =	shalt  }
0x56: {  	_ =	shalt  }
0x57: {  	_ =	shalt  }
0x58: {  	_ =	shalt  }
0x59: {  	_ =	shalt  }
0x5a: {  	_ =	shalt  }
0x5b: {  	_ =	shalt  }
0x5c: {  	_ =	shalt  }
0x5d: {  	_ =	shalt  }
0x5e: {  	_ =	shalt  }
0x5f: {  	_ =	shalt  }
0x60: {  	_ =	shalt  }
0x61: {  	_ =	shalt  }
0x62: {  	_ =	shalt  }
0x63: {  	_ =	shalt  }
0x64: {  	_ =	shalt  }
0x65: {  	_ =	shalt  }
0x66: {  	_ =	shalt  }
0x67: {  	_ =	shalt  }
0x68: {  	_ =	shalt  }
0x69: {  	_ =	shalt  }
0x6a: {  	_ =	shalt  }
0x6b: {  	_ =	shalt  }
0x6c: {  	_ =	shalt  }
0x6d: {  	_ =	shalt  }
0x6e: {  	_ =	shalt  }
0x6f: {  	_ =	shalt  }
0x70: {  	_ =	shalt  }
0x71: {  	_ =	shalt  }
0x72: {  	_ =	shalt  }
0x73: {  	_ =	shalt  }
0x74: {  	_ =	shalt  }
0x75: {  	_ =	shalt  }
0x76: {  	_ =	shalt  }
0x77: {  	_ =	shalt  }
0x78: {  	_ =	shalt  }
0x79: {  	_ =	shalt  }
0x7a: {  	_ =	shalt  }
0x7b: {  	_ =	shalt  }
0x7c: {  	_ =	shalt  }
0x7d: {  	_ =	shalt  }
0x7e: {  	_ =	shalt  }
0x7f: {  	_ =	shalt  }
0x80: {  	_ =	shalt  }
0x81: {  	_ =	shalt  }
0x82: {  	_ =	shalt  }
0x83: {  	_ =	shalt  }
0x84: {  	_ =	shalt  }
0x85: {  	_ =	shalt  }
0x86: {  	_ =	shalt  }
0x87: {  	_ =	shalt  }
.Lfunc_end0:
.L_simem_size_0:
called_computation_lowered:
.L_overlay_start_0:
0x88: {  	s2 =	sld [smem:$0x3FD9]  }
0x89: {  	s3 =	sld [smem:$0x3FFE];
	_ =	sdelay $0x1  }
0x8a: {  	s1 =	srdreg.scid  }
0x8b: {  	s0 =	sand.u32 $0x1, s1  }
0x8c: {  	s17 =	sshll.u32 s0, $0xA;
	s2 =	sadd.s32 s3, s2  }
0x8d: {  	s2 =	sadd.s32 s2, s17  }
0x8e: {  	[smem:$0x3FC6] =	sst s2  }
0x8f: {  	_ = 	snop  }
0x90: {  	s2 =	sld [smem:$0x3FC8]  }
0x91: {  	s18 =	sld [smem:$0x3FD0];
	(tm) =	ssettm $0x1  }
0x92: {  	s4 =	sld [smem:$0x3FFB];
	_ =	sdelay $0x3  }
0x93: {  	_ =	strace s4  }
0x94: {  	s4 =	sld [smem:$0x3FFC];
	_ =	sdelay $0x3  }
0x95: {  	_ =	strace s4  }
0x96: {  	s4 =	sld [smem:$0x3FFD];
	_ =	sdelay $0x3  }
0x97: {  	_ =	strace s4  }
0x98: {  	_ =	strace $0x8FFFFFFF  }
0x99: {  	s19 =	sld [smem:$0x3FDB];
	_ =	sdelay $0x1  }
0x9a: {  	s5 =	simm.s32 $_scs_section_size  }
0x9b: {  	s6 =	simm.s32 $_size__tile_overlayer_lowered;
	s7 =	simm.s32 $_tile_overlayer_lowered  }
0x9c: {  	s22 =	simm.s32 $0x1BFF;
	s21 =	sshll.u32 s7, $0x1;
	s4 =	sadd.s32 s5, s19  }
0x9d: {  	s8 =	simm.s32 $0x0;
	s20 =	sshll.u32 s6, $0x1;
	s6 =	sadd.s32 s21, s4  }
0x9e: {  	[timem:s8], [sflag:s22] =	dma.local [hbm:s6], s20  }
0x9f: {  	_ =	swait.ge [sflag:s22], s20  }
0xa0: {  	s5 =	ssub.s32 $0x0, s20;
	[sflag:s22] =	ssyncset.done $0x0  }
0xa1: {  	[sflag:s22] =	ssyncadd.s32 s5;
	_ =	sdelay $0x1  }
0xa2: {  	s23 =	simm.s32 $0x1B8B  }
0xa3: {  	_ =	swait.ge [sflag:s23], $0x1  }
0xa4: {  	[sflag:s23] =	ssyncset.done $0x0  }
0xa5: {  	s25 =	simm.s32 $0x1B8E;
	s24 =	sld [smem:$0x3FFE];
	[sflag:s23] =	ssyncadd.s32 $0xFFFFFFFF  }
0xa6: {  	s26 =	simm.s32 $execute0_lowered;
	[smem:$0x3FD2] =	sst s25  }
0xa7: {  	s6 =	sshll.u32 s26, $0x1;
	_ =	strace $0x80000046;
	[dreg:$0x1] =	wrdreg $0xFFFFFFFF  }
0xa8: {  	s28 =	simm.s32 $_size_execute0_lowered;
	s4 =	sadd.s32 s4, s6;
	[dreg:$0x0] =	wrdreg $0x0  }
0xa9: {  	s6 =	sshll.u32 s28, $0x1;
	[dreg:$0x2] =	wrdreg s4  }
0xaa: {  	[dreg:$0x3] =	wrdreg s6  }
0xab: {  	[dreg:$0x4] =	wrdreg $0xC0  }
0xac: {  	_ =	task [dreg:s8], $0x5FFFF  }
0xad: {  	[dreg:$0x1] =	wrdreg $0xFFFFFFFF  }
0xae: {  	[dreg:$0x0] =	wrdreg $0x60  }
0xaf: {  	[dreg:$0x2] =	wrdreg s24  }
0xb0: {  	[dreg:$0x3] =	wrdreg s2  }
0xb1: {  	[dreg:$0x4] =	wrdreg s18  }
0xb2: {  	[dreg:$0x5] =	wrdreg $0x9  }
0xb3: {  	_ =	task.clear_ibuf [dreg:s8], $0x6FFFF;
	_ =	strace $0x90000046  }
0xb4: {  	s29 =	simm.s32 $0x9;
	_ =	strace $0x80000048  }
0xb5: {  	_ =	swait.ge [sflag:s29], $0x1  }
0xb6: {  	[sflag:s29] =	ssyncadd.s32 $0xFFFFFFFF  }
0xb7: {  	_ =	strace $0x90000048  }
0xb8: {  	_ =	sfence  }
0xb9: {  	s30 =	sld [smem:$0x0];
	_ =	sdelay $0x2  }
0xba: {  	s31 =	sshll.u32 s1, $0xD;
	s1 =	sshrl.u32 s1, $0x2  }
0xbb: {  	s3 =	sand.u32 $0x4000, s31;
	s1 =	sadd.s32 s1, s30  }
0xbc: {  	s0 =	sor.u32 s3, s0;
	s1 =	sshll.u32 s1, $0x11  }
0xbd: {  	s0 =	sor.u32 s1, s0  }
0xbe: {  	s0 =	sadd.s32 $0x8F2B, s0  }
0xbf: {  	[sflag:s0] =	ssyncadd.remote.s32 $0x1  }
0xc0: {  	_ =	sfence.sel $0xFFFF  }
0xc1: {  	[dreg:$0x0] =	wrdreg $0xFFFFFFFF;
	(pc) =	sbr.abs _section_cstart, $3  }
0xc2: {  	[dreg:$0x1] =	wrdreg $0xFFFFFFFF  }
0xc3: {  	_ =	task.clear_ibuf [dreg:s8], $0x2FFFF;
	_ =	strace $0x9FFFFFFF  }
0xc4: {  	(tm) =	ssettm $0x7FFFFFFF  }
0xc5: {  	_ =	shalt  }
tec
execute0_lowered:
.L_overlay_start_1:
0x0: {  	(tag) =	ssettag $0x1  }
0x1: {  	s0 =	rddreg [dreg:$0x0];
	s1 =	srdreg.scid  }
0x2: {  	s3 =	stileid.u32;
	s2 =	rddreg [dreg:$0x1]  }
0x3: {  	s11 =	simm.s32 $0x80;
	s12 =	simm.s32 $0x1C00;
	s13 =	simm.s32 $0x5C00  }
0x4: {  	s15 =	simm.s32 $0x9C00;
	s16 =	simm.s32 $0xDC00;
	s17 =	simm.s32 $0x1  }
0x5: {  	s18 =	simm.s32 $0x11C00;
	s19 =	simm.s32 $0x2;
	s20 =	simm.s32 $0x3  }
0x6: {  	s21 =	simm.s32 $0x4;
	s22 =	simm.s32 $0x5;
	s23 =	simm.s32 $0x6  }
0x7: {  	s24 =	simm.s32 $0x7;
	s25 =	simm.s32 $0x8;
	s26 =	simm.s32 $0x9  }
0x8: {  	s28 =	simm.s32 $0xA;
	s1 =	sand.u32 $0x1, s1;
	s4 =	sshll.u32 s3, $0x1  }
0x9: {  	s3 =	rddreg [dreg:$0x2];
	s5 =	sor.u32 s1, s4;
	s1 =	ssub.s32 $0x2, s1  }
0xa: {  	s4 =	simm.s32 $0x0;
	s6 =	smul.u32 $0x380, s5;
	s30 =	sshrl.u32 s1, $0x1  }
0xb: {  	s29 =	simm.s32 $0x0;
	[smem:$0x7FF] =	sst s4;
	s1 =	ssub.s32 s1, s30  }
0xc: {  	s5 =	smul.u32 $0x32, s5;
	s0 =	sadd.s32 s6, s0;
	s31 =	smax.u32 s1, $0x1  }
0xd: {  	_ =	strace $0x80000047;
	s0 =	sadd.s32 $0x400, s0;
	[dreg:$0x5] =	wrdreg s31  }
0xe: {  	s7 =	sor.u32 $0x1, s5;
	s8 =	sadd.s32 $0x2, s5;
	[dreg:$0x4] =	wrdreg s0  }
.LBB2_1:
0xf: {  	s0 =	rddreg [dreg:$0x4];
	s14 =	simm.s32 $0xB  }
0x10: {  	[tilespmem:s4], [sflag:$0xB] =	stream.linear.gather [hbm4b:s0+s4], $0x1900, $0x38;
	[tilespmem:$0x15C00] =	vst v63  }
0x11: {  	_ =	swait.ge [sflag:s14], $0x1900  }
0x12: {  	[sflag:s14] =	ssyncset.done $0x0  }
0x13: {  	[sflag:s14] =	ssyncadd.s32 $0xFFFFE700  }
0x14: {  	[tilespmem:s12], [sflag:$0x1] =	stream.indirect.gather [hbm4b:s2+s11], $0x80, s4, s11, $0xb8;
	[tilespmem:$0x15C00] =	vst v63  }
0x15: {  	_ = 	snop  }
0x16: {  	[tilespmem:s13], [sflag:$0x2] =	stream.indirect.gather [hbm4b:s2+s11], $0x80, s11, s11, $0xb8;
	[tilespmem:$0x15C00] =	vst v63  }
0x17: {  	s31 =	simm.s32 $0x100;
	s30 =	simm.s32 $0x0  }
0x18: {  	[tilespmem:s15], [sflag:$0x3] =	stream.indirect.gather [hbm4b:s2+s11], $0x80, s31, s11, $0xb8;
	[tilespmem:$0x15C00] =	vst v63  }
.LBB2_2:
0x19: {  	s0 =	smul.u32 $0x5, s30;
	p0 =	seq.s32 s30, $0x0  }
0x1a: {  	s6 =	simm.s32 @!p0 $0x9  }
0x1b: {  	s1 =	sadd.s32 $0x3, s0;
	_ =	swait.ge @!p0 [sflag:s6], $0x4000  }
0x1c: {  	[sflag:s6] =	ssyncset.done @!p0 $0x0;
	s9 =	sshll.u32 s1, $0x7  }
0x1d: {  	[sflag:s6] =	ssyncadd.s32 @!p0 $0xFFFFC000;
	s31 =	sand.u32 $0x3FFFFF80, s9  }
0x1e: {  	[tilespmem:s16], [sflag:$0x4] =	stream.indirect.gather [hbm4b:s2+s11], $0x80, s31, s11, $0xb8;
	[tilespmem:$0x15C00] =	vst v63  }
0x1f: {  	_ =	swait.ge [sflag:s17], $0x4000  }
0x20: {  	[sflag:s17] =	ssyncset.done $0x0  }
0x21: {  	s14 =	simm.s32 $0x0;
	[sflag:s17] =	ssyncadd.s32 $0xFFFFC000  }
0x22: {  	v1 =	vld [tilespmem:s14+$0x1C70]  }
0x23: {  	v5 =	vld [tilespmem:s14+$0x1C00]  }
0x24: {  	v6 =	vld [tilespmem:s14+$0x1C10]  }
0x25: {  	v4 =	vld [tilespmem:s14+$0x1C20]  }
0x26: {  	v3 =	vld [tilespmem:s14+$0x1C30]  }
0x27: {  	v0 =	vld [tilespmem:s14+$0x1C40];
	v7 =	vmul.f32 $1.131370830e+01, v1  }
0x28: {  	v1 =	vld [tilespmem:s14+$0x1C50];
	v5 =	vmul.f32 $1.131370830e+01, v5  }
0x29: {  	s6 =	simm.s32 $0x80;
	s9 =	simm.s32 $0x400;
	v2 =	vld [tilespmem:s14+$0x1C60];
	v6 =	vmul.f32 $1.131370830e+01, v6;
	[tilespmem:s14+$0x1C70] =	vst v7  }
.LBB2_3:
0x2a: {  	p1 =	sne.s32 s9, $0xFE00;
	v7 =	vld [tilespmem:s6+$0x1C70];
	[tilespmem:s14+$0x1C00] =	vst v5;
	v4 =	vmul.f32 $1.131370830e+01, v4  }
0x2b: {  	v5 =	vld [tilespmem:s6+$0x1C00];
	[tilespmem:s14+$0x1C10] =	vst v6;
	v3 =	vmul.f32 $1.131370830e+01, v3  }
0x2c: {  	v6 =	vld [tilespmem:s6+$0x1C10];
	[tilespmem:s14+$0x1C20] =	vst v4;
	v0 =	vmul.f32 $1.131370830e+01, v0  }
.Ltmp0:
0x2d: {  	v4 =	vld [tilespmem:s6+$0x1C20];
	[tilespmem:s14+$0x1C30] =	vst v3;
	v1 =	vmul.f32 $1.131370830e+01, v1;
	(pc) =	sbr.rel @p1 .LBB2_3-.Ltmp0, $4  }
0x2e: {  	v3 =	vld [tilespmem:s6+$0x1C30];
	[tilespmem:s14+$0x1C40] =	vst v0;
	v2 =	vmul.f32 $1.131370830e+01, v2  }
0x2f: {  	v0 =	vld [tilespmem:s6+$0x1C40];
	v7 =	vmul.f32 $1.131370830e+01, v7;
	[tilespmem:s14+$0x1C50] =	vst v1  }
0x30: {  	v5 =	vmul.f32 $1.131370830e+01, v5;
	v1 =	vld [tilespmem:s6+$0x1C50];
	[tilespmem:s14+$0x1C60] =	vst v2;
	s14 =	smov.u32 s6  }
0x31: {  	s6 =	sshra.s32 s9, $0x2;
	s9 =	sadd.s32 $0x200, s9;
	v6 =	vmul.f32 $1.131370830e+01, v6;
	v2 =	vld [tilespmem:s14+$0x1C60];
	[tilespmem:s14+$0x1C70] =	vst v7  }
0x32: {  	v7 =	vld [tilespmem:s6+$0x1C70];
	[tilespmem:s14+$0x1C00] =	vst v5;
	v4 =	vmul.f32 $1.131370830e+01, v4  }
0x33: {  	v5 =	vld [tilespmem:s6+$0x1C00];
	[tilespmem:s14+$0x1C10] =	vst v6;
	v3 =	vmul.f32 $1.131370830e+01, v3  }
0x34: {  	v6 =	vld [tilespmem:s6+$0x1C10];
	[tilespmem:s14+$0x1C20] =	vst v4;
	v0 =	vmul.f32 $1.131370830e+01, v0  }
0x35: {  	v4 =	vld [tilespmem:s6+$0x1C20];
	[tilespmem:s14+$0x1C30] =	vst v3;
	v1 =	vmul.f32 $1.131370830e+01, v1  }
0x36: {  	v3 =	vld [tilespmem:s6+$0x1C30];
	[tilespmem:s14+$0x1C40] =	vst v0;
	v0 =	vmul.f32 $1.131370830e+01, v2  }
0x37: {  	v2 =	vld [tilespmem:s6+$0x1C40];
	v7 =	vmul.f32 $1.131370830e+01, v7;
	[tilespmem:s14+$0x1C50] =	vst v1  }
0x38: {  	v1 =	vld [tilespmem:s6+$0x1C50];
	v5 =	vmul.f32 $1.131370830e+01, v5;
	[tilespmem:s14+$0x1C60] =	vst v0  }
0x39: {  	v0 =	vld [tilespmem:s6+$0x1C60];
	v6 =	vmul.f32 $1.131370830e+01, v6;
	[tilespmem:s6+$0x1C70] =	vst v7  }
0x3a: {  	[tilespmem:s6+$0x1C00] =	vst v5;
	v4 =	vmul.f32 $1.131370830e+01, v4  }
0x3b: {  	[tilespmem:s6+$0x1C10] =	vst v6;
	v3 =	vmul.f32 $1.131370830e+01, v3  }
0x3c: {  	[tilespmem:s6+$0x1C20] =	vst v4;
	v2 =	vmul.f32 $1.131370830e+01, v2  }
0x3d: {  	[tilespmem:s6+$0x1C30] =	vst v3;
	v1 =	vmul.f32 $1.131370830e+01, v1  }
0x3e: {  	s9 =	sadd.s32 s5, s0;
	[tilespmem:s6+$0x1C40] =	vst v2;
	v0 =	vmul.f32 $1.131370830e+01, v0  }
0x3f: {  	s9 =	sshll.u32 s9, $0xB;
	[tilespmem:s6+$0x1C50] =	vst v1  }
0x40: {  	s9 =	sadd.s32 s3, s9;
	[tilespmem:s6+$0x1C60] =	vst v0;
	s6 =	simm.s32 @!p0 $0xA  }
0x41: {  	[hbm4b:s9+s4] =	stream.linear.scatter [tilespmem:s12], [sflag:$0x6], $0x4000, $0x38;
	[tilespmem:$0x15C00] =	vst v63  }
0x42: {  	s31 =	sadd.s32 $0x4, s0;
	_ =	swait.ge @!p0 [sflag:s6], $0x4000  }
0x43: {  	s10 =	sshll.u32 s31, $0x7;
	[sflag:s6] =	ssyncset.done @!p0 $0x0  }
0x44: {  	s14 =	sand.u32 $0x3FFFFF80, s10;
	[sflag:s6] =	ssyncadd.s32 @!p0 $0xFFFFC000  }
0x45: {  	[tilespmem:s18], [sflag:$0x5] =	stream.indirect.gather [hbm4b:s2+s11], $0x80, s14, s11, $0xb8;
	[tilespmem:$0x15C00] =	vst v63  }
0x46: {  	_ =	swait.ge [sflag:s19], $0x4000  }
0x47: {  	[sflag:s19] =	ssyncset.done $0x0  }
0x48: {  	s6 =	simm.s32 $0x0;
	[sflag:s19] =	ssyncadd.s32 $0xFFFFC000  }
0x49: {  	v1 =	vld [tilespmem:s6+$0x5C70]  }
0x4a: {  	v5 =	vld [tilespmem:s6+$0x5C00]  }
0x4b: {  	v6 =	vld [tilespmem:s6+$0x5C10]  }
0x4c: {  	v4 =	vld [tilespmem:s6+$0x5C20]  }
0x4d: {  	v3 =	vld [tilespmem:s6+$0x5C30]  }
0x4e: {  	v0 =	vld [tilespmem:s6+$0x5C40];
	v7 =	vmul.f32 $1.131370830e+01, v1  }
0x4f: {  	v1 =	vld [tilespmem:s6+$0x5C50];
	v5 =	vmul.f32 $1.131370830e+01, v5  }
0x50: {  	s9 =	simm.s32 $0x400;
	s14 =	simm.s32 $0x80;
	v2 =	vld [tilespmem:s6+$0x5C60];
	v6 =	vmul.f32 $1.131370830e+01, v6;
	[tilespmem:s6+$0x5C70] =	vst v7  }
.LBB2_5:
0x51: {  	p0 =	sne.s32 s9, $0xFE00;
	v7 =	vld [tilespmem:s14+$0x5C70];
	[tilespmem:s6+$0x5C00] =	vst v5;
	v4 =	vmul.f32 $1.131370830e+01, v4  }
0x52: {  	v5 =	vld [tilespmem:s14+$0x5C00];
	[tilespmem:s6+$0x5C10] =	vst v6;
	v3 =	vmul.f32 $1.131370830e+01, v3  }
0x53: {  	v6 =	vld [tilespmem:s14+$0x5C10];
	[tilespmem:s6+$0x5C20] =	vst v4;
	v0 =	vmul.f32 $1.131370830e+01, v0  }
.Ltmp1:
0x54: {  	v4 =	vld [tilespmem:s14+$0x5C20];
	[tilespmem:s6+$0x5C30] =	vst v3;
	v1 =	vmul.f32 $1.131370830e+01, v1;
	(pc) =	sbr.rel @p0 .LBB2_5-.Ltmp1, $4  }
0x55: {  	v3 =	vld [tilespmem:s14+$0x5C30];
	[tilespmem:s6+$0x5C40] =	vst v0;
	v2 =	vmul.f32 $1.131370830e+01, v2  }
0x56: {  	v0 =	vld [tilespmem:s14+$0x5C40];
	v7 =	vmul.f32 $1.131370830e+01, v7;
	[tilespmem:s6+$0x5C50] =	vst v1  }
0x57: {  	v5 =	vmul.f32 $1.131370830e+01, v5;
	v1 =	vld [tilespmem:s14+$0x5C50];
	[tilespmem:s6+$0x5C60] =	vst v2;
	s6 =	smov.u32 s14  }
0x58: {  	s14 =	sshra.s32 s9, $0x2;
	s9 =	sadd.s32 $0x200, s9;
	v6 =	vmul.f32 $1.131370830e+01, v6;
	v2 =	vld [tilespmem:s6+$0x5C60];
	[tilespmem:s6+$0x5C70] =	vst v7  }
0x59: {  	v7 =	vld [tilespmem:s14+$0x5C70];
	[tilespmem:s6+$0x5C00] =	vst v5;
	v4 =	vmul.f32 $1.131370830e+01, v4  }
0x5a: {  	v5 =	vld [tilespmem:s14+$0x5C00];
	[tilespmem:s6+$0x5C10] =	vst v6;
	v3 =	vmul.f32 $1.131370830e+01, v3  }
0x5b: {  	v6 =	vld [tilespmem:s14+$0x5C10];
	[tilespmem:s6+$0x5C20] =	vst v4;
	v0 =	vmul.f32 $1.131370830e+01, v0  }
0x5c: {  	v4 =	vld [tilespmem:s14+$0x5C20];
	[tilespmem:s6+$0x5C30] =	vst v3;
	v1 =	vmul.f32 $1.131370830e+01, v1  }
0x5d: {  	v3 =	vld [tilespmem:s14+$0x5C30];
	[tilespmem:s6+$0x5C40] =	vst v0;
	v0 =	vmul.f32 $1.131370830e+01, v2  }
0x5e: {  	v2 =	vld [tilespmem:s14+$0x5C40];
	v7 =	vmul.f32 $1.131370830e+01, v7;
	[tilespmem:s6+$0x5C50] =	vst v1  }
0x5f: {  	v1 =	vld [tilespmem:s14+$0x5C50];
	v5 =	vmul.f32 $1.131370830e+01, v5;
	[tilespmem:s6+$0x5C60] =	vst v0  }
0x60: {  	v0 =	vld [tilespmem:s14+$0x5C60];
	v6 =	vmul.f32 $1.131370830e+01, v6;
	[tilespmem:s14+$0x5C70] =	vst v7  }
0x61: {  	[tilespmem:s14+$0x5C00] =	vst v5;
	v4 =	vmul.f32 $1.131370830e+01, v4  }
0x62: {  	[tilespmem:s14+$0x5C10] =	vst v6;
	v3 =	vmul.f32 $1.131370830e+01, v3  }
0x63: {  	[tilespmem:s14+$0x5C20] =	vst v4;
	v2 =	vmul.f32 $1.131370830e+01, v2  }
0x64: {  	s10 =	sadd.s32 s0, s7;
	[tilespmem:s14+$0x5C30] =	vst v3;
	v1 =	vmul.f32 $1.131370830e+01, v1  }
0x65: {  	s6 =	sshll.u32 s10, $0xB;
	[tilespmem:s14+$0x5C40] =	vst v2;
	v0 =	vmul.f32 $1.131370830e+01, v0  }
0x66: {  	s6 =	sand.u32 $0x1FFFF800, s6;
	[tilespmem:s14+$0x5C50] =	vst v1  }
0x67: {  	p0 =	seq.s32 s30, $0x9;
	s6 =	sadd.s32 s3, s6;
	[tilespmem:s14+$0x5C60] =	vst v0  }
0x68: {  	[hbm4b:s6+s4] =	stream.linear.scatter [tilespmem:s13], [sflag:$0x7], $0x4000, $0x38;
	[tilespmem:$0x15C00] =	vst v63  }
0x69: {  	s9 =	smul.u32 @!p0 $0xA00, s30;
	s6 =	simm.s32 @!p0 $0x6  }
0x6a: {  	_ =	swait.ge @!p0 [sflag:s6], $0x4000  }
0x6b: {  	s10 =	simm.s32 @!p0 $0x1C00;
	s14 =	sshra.s32 @!p0 s9, $0x2;
	[sflag:s6] =	ssyncset.done @!p0 $0x0  }
0x6c: {  	s9 =	simm.s32 @!p0 $0x80;
	[sflag:s6] =	ssyncadd.s32 @!p0 $0xFFFFC000;
	s6 =	sadd.s32 @!p0 $0x280, s14  }
0x6d: {  	[tilespmem:s10], [sflag:$0x1] =	stream.indirect.gather @!p0 [hbm4b:s2+s9], $0x80, s6, s9, $0xb8;
	[tilespmem:$0x15C00] =	vst v63  }
0x6e: {  	_ =	swait.ge [sflag:s20], $0x4000  }
0x6f: {  	[sflag:s20] =	ssyncset.done $0x0  }
0x70: {  	s9 =	simm.s32 $0x0;
	[sflag:s20] =	ssyncadd.s32 $0xFFFFC000  }
0x71: {  	v1 =	vld [tilespmem:s9+$0x9C70]  }
0x72: {  	v5 =	vld [tilespmem:s9+$0x9C00]  }
0x73: {  	v6 =	vld [tilespmem:s9+$0x9C10]  }
0x74: {  	v4 =	vld [tilespmem:s9+$0x9C20]  }
0x75: {  	v3 =	vld [tilespmem:s9+$0x9C30]  }
0x76: {  	v0 =	vld [tilespmem:s9+$0x9C40];
	v7 =	vmul.f32 $1.131370830e+01, v1  }
0x77: {  	v1 =	vld [tilespmem:s9+$0x9C50];
	v5 =	vmul.f32 $1.131370830e+01, v5  }
0x78: {  	s6 =	simm.s32 $0x80;
	s10 =	simm.s32 $0x400;
	v2 =	vld [tilespmem:s9+$0x9C60];
	v6 =	vmul.f32 $1.131370830e+01, v6;
	[tilespmem:s9+$0x9C70] =	vst v7  }
.LBB2_7:
0x79: {  	p1 =	sne.s32 s10, $0xFE00;
	v7 =	vld [tilespmem:s6+$0x9C70];
	[tilespmem:s9+$0x9C00] =	vst v5;
	v4 =	vmul.f32 $1.131370830e+01, v4  }
0x7a: {  	v5 =	vld [tilespmem:s6+$0x9C00];
	[tilespmem:s9+$0x9C10] =	vst v6;
	v3 =	vmul.f32 $1.131370830e+01, v3  }
0x7b: {  	v6 =	vld [tilespmem:s6+$0x9C10];
	[tilespmem:s9+$0x9C20] =	vst v4;
	v0 =	vmul.f32 $1.131370830e+01, v0  }
.Ltmp2:
0x7c: {  	v4 =	vld [tilespmem:s6+$0x9C20];
	[tilespmem:s9+$0x9C30] =	vst v3;
	v1 =	vmul.f32 $1.131370830e+01, v1;
	(pc) =	sbr.rel @p1 .LBB2_7-.Ltmp2, $4  }
0x7d: {  	v3 =	vld [tilespmem:s6+$0x9C30];
	[tilespmem:s9+$0x9C40] =	vst v0;
	v2 =	vmul.f32 $1.131370830e+01, v2  }
0x7e: {  	v0 =	vld [tilespmem:s6+$0x9C40];
	v7 =	vmul.f32 $1.131370830e+01, v7;
	[tilespmem:s9+$0x9C50] =	vst v1  }
0x7f: {  	v5 =	vmul.f32 $1.131370830e+01, v5;
	v1 =	vld [tilespmem:s6+$0x9C50];
	[tilespmem:s9+$0x9C60] =	vst v2;
	s9 =	smov.u32 s6  }
0x80: {  	s6 =	sshra.s32 s10, $0x2;
	s10 =	sadd.s32 $0x200, s10;
	v6 =	vmul.f32 $1.131370830e+01, v6;
	v2 =	vld [tilespmem:s9+$0x9C60];
	[tilespmem:s9+$0x9C70] =	vst v7  }
0x81: {  	v7 =	vld [tilespmem:s6+$0x9C70];
	[tilespmem:s9+$0x9C00] =	vst v5;
	v4 =	vmul.f32 $1.131370830e+01, v4  }
0x82: {  	v5 =	vld [tilespmem:s6+$0x9C00];
	[tilespmem:s9+$0x9C10] =	vst v6;
	v3 =	vmul.f32 $1.131370830e+01, v3  }
0x83: {  	v6 =	vld [tilespmem:s6+$0x9C10];
	[tilespmem:s9+$0x9C20] =	vst v4;
	v0 =	vmul.f32 $1.131370830e+01, v0  }
0x84: {  	v4 =	vld [tilespmem:s6+$0x9C20];
	[tilespmem:s9+$0x9C30] =	vst v3;
	v1 =	vmul.f32 $1.131370830e+01, v1  }
0x85: {  	v3 =	vld [tilespmem:s6+$0x9C30];
	[tilespmem:s9+$0x9C40] =	vst v0;
	v0 =	vmul.f32 $1.131370830e+01, v2  }
0x86: {  	v2 =	vld [tilespmem:s6+$0x9C40];
	v7 =	vmul.f32 $1.131370830e+01, v7;
	[tilespmem:s9+$0x9C50] =	vst v1  }
0x87: {  	v1 =	vld [tilespmem:s6+$0x9C50];
	v5 =	vmul.f32 $1.131370830e+01, v5;
	[tilespmem:s9+$0x9C60] =	vst v0  }
0x88: {  	v0 =	vld [tilespmem:s6+$0x9C60];
	v6 =	vmul.f32 $1.131370830e+01, v6;
	[tilespmem:s6+$0x9C70] =	vst v7  }
0x89: {  	[tilespmem:s6+$0x9C00] =	vst v5;
	v4 =	vmul.f32 $1.131370830e+01, v4  }
0x8a: {  	[tilespmem:s6+$0x9C10] =	vst v6;
	v3 =	vmul.f32 $1.131370830e+01, v3  }
0x8b: {  	[tilespmem:s6+$0x9C20] =	vst v4;
	v2 =	vmul.f32 $1.131370830e+01, v2  }
0x8c: {  	s0 =	sadd.s32 s0, s8;
	[tilespmem:s6+$0x9C30] =	vst v3;
	v1 =	vmul.f32 $1.131370830e+01, v1  }
0x8d: {  	s0 =	sshll.u32 s0, $0xB;
	[tilespmem:s6+$0x9C40] =	vst v2;
	v0 =	vmul.f32 $1.131370830e+01, v0  }
0x8e: {  	s0 =	sand.u32 $0x1FFFF800, s0;
	[tilespmem:s6+$0x9C50] =	vst v1  }
0x8f: {  	s0 =	sadd.s32 s3, s0;
	[tilespmem:s6+$0x9C60] =	vst v0  }
0x90: {  	[hbm4b:s0+s4] =	stream.linear.scatter [tilespmem:s15], [sflag:$0x8], $0x4000, $0x38;
	[tilespmem:$0x15C00] =	vst v63  }
0x91: {  	s0 =	simm.s32 @!p0 $0x7  }
0x92: {  	_ =	swait.ge @!p0 [sflag:s0], $0x4000  }
0x93: {  	s9 =	simm.s32 @!p0 $0x5C00;
	[sflag:s0] =	ssyncset.done @!p0 $0x0  }
0x94: {  	s6 =	simm.s32 @!p0 $0x80;
	[sflag:s0] =	ssyncadd.s32 @!p0 $0xFFFFC000;
	s0 =	sadd.s32 @!p0 $0x300, s14  }
0x95: {  	[tilespmem:s9], [sflag:$0x2] =	stream.indirect.gather @!p0 [hbm4b:s2+s6], $0x80, s0, s6, $0xb8;
	[tilespmem:$0x15C00] =	vst v63  }
0x96: {  	_ =	swait.ge [sflag:s21], $0x4000  }
0x97: {  	[sflag:s21] =	ssyncset.done $0x0  }
0x98: {  	s6 =	simm.s32 $0x0;
	[sflag:s21] =	ssyncadd.s32 $0xFFFFC000  }
0x99: {  	v1 =	vld [tilespmem:s6+$0xDC70]  }
0x9a: {  	v5 =	vld [tilespmem:s6+$0xDC00]  }
0x9b: {  	v6 =	vld [tilespmem:s6+$0xDC10]  }
0x9c: {  	v4 =	vld [tilespmem:s6+$0xDC20]  }
0x9d: {  	v3 =	vld [tilespmem:s6+$0xDC30]  }
0x9e: {  	v0 =	vld [tilespmem:s6+$0xDC40];
	v7 =	vmul.f32 $1.131370830e+01, v1  }
0x9f: {  	v1 =	vld [tilespmem:s6+$0xDC50];
	v5 =	vmul.f32 $1.131370830e+01, v5  }
0xa0: {  	s0 =	simm.s32 $0x80;
	s9 =	simm.s32 $0x400;
	v2 =	vld [tilespmem:s6+$0xDC60];
	v6 =	vmul.f32 $1.131370830e+01, v6;
	[tilespmem:s6+$0xDC70] =	vst v7  }
.LBB2_9:
0xa1: {  	p1 =	sne.s32 s9, $0xFE00;
	v7 =	vld [tilespmem:s0+$0xDC70];
	[tilespmem:s6+$0xDC00] =	vst v5;
	v4 =	vmul.f32 $1.131370830e+01, v4  }
0xa2: {  	v5 =	vld [tilespmem:s0+$0xDC00];
	[tilespmem:s6+$0xDC10] =	vst v6;
	v3 =	vmul.f32 $1.131370830e+01, v3  }
0xa3: {  	v6 =	vld [tilespmem:s0+$0xDC10];
	[tilespmem:s6+$0xDC20] =	vst v4;
	v0 =	vmul.f32 $1.131370830e+01, v0  }
.Ltmp3:
0xa4: {  	v4 =	vld [tilespmem:s0+$0xDC20];
	[tilespmem:s6+$0xDC30] =	vst v3;
	v1 =	vmul.f32 $1.131370830e+01, v1;
	(pc) =	sbr.rel @p1 .LBB2_9-.Ltmp3, $4  }
0xa5: {  	v3 =	vld [tilespmem:s0+$0xDC30];
	[tilespmem:s6+$0xDC40] =	vst v0;
	v2 =	vmul.f32 $1.131370830e+01, v2  }
0xa6: {  	v0 =	vld [tilespmem:s0+$0xDC40];
	v7 =	vmul.f32 $1.131370830e+01, v7;
	[tilespmem:s6+$0xDC50] =	vst v1  }
0xa7: {  	v5 =	vmul.f32 $1.131370830e+01, v5;
	v1 =	vld [tilespmem:s0+$0xDC50];
	[tilespmem:s6+$0xDC60] =	vst v2;
	s6 =	smov.u32 s0  }
0xa8: {  	s0 =	sshra.s32 s9, $0x2;
	s9 =	sadd.s32 $0x200, s9;
	v6 =	vmul.f32 $1.131370830e+01, v6;
	v2 =	vld [tilespmem:s6+$0xDC60];
	[tilespmem:s6+$0xDC70] =	vst v7  }
0xa9: {  	v7 =	vld [tilespmem:s0+$0xDC70];
	[tilespmem:s6+$0xDC00] =	vst v5;
	v4 =	vmul.f32 $1.131370830e+01, v4  }
0xaa: {  	v5 =	vld [tilespmem:s0+$0xDC00];
	[tilespmem:s6+$0xDC10] =	vst v6;
	v3 =	vmul.f32 $1.131370830e+01, v3  }
0xab: {  	v6 =	vld [tilespmem:s0+$0xDC10];
	[tilespmem:s6+$0xDC20] =	vst v4;
	v0 =	vmul.f32 $1.131370830e+01, v0  }
0xac: {  	v4 =	vld [tilespmem:s0+$0xDC20];
	[tilespmem:s6+$0xDC30] =	vst v3;
	v1 =	vmul.f32 $1.131370830e+01, v1  }
0xad: {  	v3 =	vld [tilespmem:s0+$0xDC30];
	[tilespmem:s6+$0xDC40] =	vst v0;
	v0 =	vmul.f32 $1.131370830e+01, v2  }
0xae: {  	v2 =	vld [tilespmem:s0+$0xDC40];
	v7 =	vmul.f32 $1.131370830e+01, v7;
	[tilespmem:s6+$0xDC50] =	vst v1  }
0xaf: {  	v1 =	vld [tilespmem:s0+$0xDC50];
	v5 =	vmul.f32 $1.131370830e+01, v5;
	[tilespmem:s6+$0xDC60] =	vst v0  }
0xb0: {  	v0 =	vld [tilespmem:s0+$0xDC60];
	v6 =	vmul.f32 $1.131370830e+01, v6;
	[tilespmem:s0+$0xDC70] =	vst v7  }
0xb1: {  	[tilespmem:s0+$0xDC00] =	vst v5;
	v4 =	vmul.f32 $1.131370830e+01, v4  }
0xb2: {  	[tilespmem:s0+$0xDC10] =	vst v6;
	v3 =	vmul.f32 $1.131370830e+01, v3  }
0xb3: {  	[tilespmem:s0+$0xDC20] =	vst v4;
	v2 =	vmul.f32 $1.131370830e+01, v2  }
0xb4: {  	s1 =	sadd.s32 s5, s1;
	[tilespmem:s0+$0xDC30] =	vst v3;
	v1 =	vmul.f32 $1.131370830e+01, v1  }
0xb5: {  	s1 =	sshll.u32 s1, $0xB;
	[tilespmem:s0+$0xDC40] =	vst v2;
	v0 =	vmul.f32 $1.131370830e+01, v0  }
0xb6: {  	s1 =	sand.u32 $0x1FFFF800, s1;
	[tilespmem:s0+$0xDC50] =	vst v1  }
0xb7: {  	s10 =	sadd.s32 s3, s1;
	[tilespmem:s0+$0xDC60] =	vst v0;
	s0 =	simm.s32 @!p0 $0x8  }
0xb8: {  	[hbm4b:s10+s4] =	stream.linear.scatter [tilespmem:s16], [sflag:$0x9], $0x4000, $0x38;
	[tilespmem:$0x15C00] =	vst v63  }
0xb9: {  	_ =	swait.ge @!p0 [sflag:s0], $0x4000  }
0xba: {  	s1 =	simm.s32 @!p0 $0x80;
	[sflag:s0] =	ssyncset.done @!p0 $0x0  }
0xbb: {  	s6 =	simm.s32 @!p0 $0x9C00;
	[sflag:s0] =	ssyncadd.s32 @!p0 $0xFFFFC000;
	s0 =	sadd.s32 @!p0 $0x380, s14  }
0xbc: {  	[tilespmem:s6], [sflag:$0x3] =	stream.indirect.gather @!p0 [hbm4b:s2+s1], $0x80, s0, s1, $0xb8;
	[tilespmem:$0x15C00] =	vst v63  }
0xbd: {  	_ =	swait.ge [sflag:s22], $0x4000  }
0xbe: {  	[sflag:s22] =	ssyncset.done $0x0  }
0xbf: {  	s1 =	simm.s32 $0x0;
	[sflag:s22] =	ssyncadd.s32 $0xFFFFC000  }
0xc0: {  	v1 =	vld [tilespmem:s1+$0x11C70]  }
0xc1: {  	v5 =	vld [tilespmem:s1+$0x11C00]  }
0xc2: {  	v6 =	vld [tilespmem:s1+$0x11C10]  }
0xc3: {  	v4 =	vld [tilespmem:s1+$0x11C20]  }
0xc4: {  	v3 =	vld [tilespmem:s1+$0x11C30]  }
0xc5: {  	v0 =	vld [tilespmem:s1+$0x11C40];
	v7 =	vmul.f32 $1.131370830e+01, v1  }
0xc6: {  	v1 =	vld [tilespmem:s1+$0x11C50];
	v5 =	vmul.f32 $1.131370830e+01, v5  }
0xc7: {  	s0 =	simm.s32 $0x80;
	s6 =	simm.s32 $0x400;
	v2 =	vld [tilespmem:s1+$0x11C60];
	v6 =	vmul.f32 $1.131370830e+01, v6;
	[tilespmem:s1+$0x11C70] =	vst v7  }
.LBB2_11:
0xc8: {  	p0 =	sne.s32 s6, $0xFE00;
	v7 =	vld [tilespmem:s0+$0x11C70];
	[tilespmem:s1+$0x11C00] =	vst v5;
	v4 =	vmul.f32 $1.131370830e+01, v4  }
0xc9: {  	v5 =	vld [tilespmem:s0+$0x11C00];
	[tilespmem:s1+$0x11C10] =	vst v6;
	v3 =	vmul.f32 $1.131370830e+01, v3  }
0xca: {  	v6 =	vld [tilespmem:s0+$0x11C10];
	[tilespmem:s1+$0x11C20] =	vst v4;
	v0 =	vmul.f32 $1.131370830e+01, v0  }
.Ltmp4:
0xcb: {  	v4 =	vld [tilespmem:s0+$0x11C20];
	[tilespmem:s1+$0x11C30] =	vst v3;
	v1 =	vmul.f32 $1.131370830e+01, v1;
	(pc) =	sbr.rel @p0 .LBB2_11-.Ltmp4, $4  }
0xcc: {  	v3 =	vld [tilespmem:s0+$0x11C30];
	[tilespmem:s1+$0x11C40] =	vst v0;
	v2 =	vmul.f32 $1.131370830e+01, v2  }
0xcd: {  	v0 =	vld [tilespmem:s0+$0x11C40];
	v7 =	vmul.f32 $1.131370830e+01, v7;
	[tilespmem:s1+$0x11C50] =	vst v1  }
0xce: {  	v5 =	vmul.f32 $1.131370830e+01, v5;
	v1 =	vld [tilespmem:s0+$0x11C50];
	[tilespmem:s1+$0x11C60] =	vst v2;
	s1 =	smov.u32 s0  }
0xcf: {  	s0 =	sshra.s32 s6, $0x2;
	s6 =	sadd.s32 $0x200, s6;
	v6 =	vmul.f32 $1.131370830e+01, v6;
	v2 =	vld [tilespmem:s1+$0x11C60];
	[tilespmem:s1+$0x11C70] =	vst v7  }
0xd0: {  	v7 =	vld [tilespmem:s0+$0x11C70];
	[tilespmem:s1+$0x11C00] =	vst v5;
	v4 =	vmul.f32 $1.131370830e+01, v4  }
0xd1: {  	v56 =	vld [tilespmem:s0+$0x11C00];
	[tilespmem:s1+$0x11C10] =	vst v6;
	v3 =	vmul.f32 $1.131370830e+01, v3  }
0xd2: {  	v57 =	vld [tilespmem:s0+$0x11C10];
	[tilespmem:s1+$0x11C20] =	vst v4;
	v0 =	vmul.f32 $1.131370830e+01, v0  }
0xd3: {  	v58 =	vld [tilespmem:s0+$0x11C20];
	[tilespmem:s1+$0x11C30] =	vst v3;
	v1 =	vmul.f32 $1.131370830e+01, v1  }
0xd4: {  	v59 =	vld [tilespmem:s0+$0x11C30];
	[tilespmem:s1+$0x11C40] =	vst v0;
	v60 =	vmul.f32 $1.131370830e+01, v2  }
0xd5: {  	v61 =	vld [tilespmem:s0+$0x11C40];
	v7 =	vmul.f32 $1.131370830e+01, v7;
	[tilespmem:s1+$0x11C50] =	vst v1  }
0xd6: {  	v62 =	vld [tilespmem:s0+$0x11C50];
	v5 =	vmul.f32 $1.131370830e+01, v56;
	[tilespmem:s1+$0x11C60] =	vst v60  }
0xd7: {  	v63 =	vld [tilespmem:s0+$0x11C60];
	v6 =	vmul.f32 $1.131370830e+01, v57;
	[tilespmem:s0+$0x11C70] =	vst v7  }
0xd8: {  	v4 =	vmul.f32 $1.131370830e+01, v58;
	[tilespmem:s0+$0x11C00] =	vst v5  }
0xd9: {  	s30 =	sadd.s32 $0x1, s30;
	v3 =	vmul.f32 $1.131370830e+01, v59;
	[tilespmem:s0+$0x11C10] =	vst v6  }
0xda: {  	p0 =	sne.s32 s30, $0xA;
	v2 =	vmul.f32 $1.131370830e+01, v61;
	[tilespmem:s0+$0x11C20] =	vst v4  }
.Ltmp5:
0xdb: {  	s14 =	sadd.s32 s5, s31;
	v1 =	vmul.f32 $1.131370830e+01, v62;
	[tilespmem:s0+$0x11C30] =	vst v3;
	(pc) =	sbr.rel @p0 .LBB2_2-.Ltmp5, $4  }
0xdc: {  	v0 =	vmul.f32 $1.131370830e+01, v63;
	s1 =	sshll.u32 s14, $0xB;
	[tilespmem:s0+$0x11C40] =	vst v2  }
0xdd: {  	[tilespmem:s0+$0x11C50] =	vst v1;
	s1 =	sand.u32 $0x1FFFF800, s1  }
0xde: {  	[tilespmem:s0+$0x11C60] =	vst v0;
	s31 =	sadd.s32 s3, s1  }
0xdf: {  	[hbm4b:s31+s4] =	stream.linear.scatter [tilespmem:s18], [sflag:$0xA], $0x4000, $0x38;
	[tilespmem:$0x15C00] =	vst v63  }
0xe0: {  	_ =	swait.ge [sflag:s23], $0x4000  }
0xe1: {  	[sflag:s23] =	ssyncset.done $0x0  }
0xe2: {  	[sflag:s23] =	ssyncadd.s32 $0xFFFFC000  }
0xe3: {  	_ =	swait.ge [sflag:s24], $0x4000  }
0xe4: {  	[sflag:s24] =	ssyncset.done $0x0  }
0xe5: {  	[sflag:s24] =	ssyncadd.s32 $0xFFFFC000  }
0xe6: {  	_ =	swait.ge [sflag:s25], $0x4000  }
0xe7: {  	[sflag:s25] =	ssyncset.done $0x0  }
0xe8: {  	[sflag:s25] =	ssyncadd.s32 $0xFFFFC000  }
0xe9: {  	_ =	swait.ge [sflag:s26], $0x4000  }
0xea: {  	[sflag:s26] =	ssyncset.done $0x0  }
0xeb: {  	[sflag:s26] =	ssyncadd.s32 $0xFFFFC000  }
0xec: {  	_ =	swait.ge [sflag:s28], $0x4000  }
0xed: {  	s29 =	sadd.s32 $0x1, s29;
	s0 =	rddreg [dreg:$0x5]  }
0xee: {  	p0 =	sne.s32 s29, s0  }
.Ltmp6:
0xef: {  	_ = 	snop;
	(pc) =	sbr.rel @p0 .LBB2_1-.Ltmp6, $3  }
0xf0: {  	_ =	sdelay $0x1  }
0xf1: {  	[sflag:s28] =	ssyncset.done $0x0  }
0xf2: {  	[sflag:s28] =	ssyncadd.s32 $0xFFFFC000  }
0xf3: {  	_ =	sfence.sel $0x180000  }
0xf4: {  	[bflag:$0x0] =	sbarrier.arrive $0xFFFF  }
0xf5: {  	_ =	strace $0x90000047  }
0xf6: {  	s0 =	stileid.u32;
	[bflag:$0x2] =	sbarrier.arrive $0xFFFF  }
0xf7: {  	p0 =	sne.s32 s0, $0x0;
	s0 =	rddreg [dreg:$0x3]  }
0xf8: {  	s0 =	sadd.s32 @!p0 $0x100000, s0  }
0xf9: {  	[sflag:s0] =	ssyncadd.tile.s32 @!p0 $0x1;
	_ =	shalt  }
.Lfunc_end2:
_tile_overlayer_lowered:
.L_overlay_start_2:
0xfa: {  	(tag) =	ssettag $0x2  }
0xfb: {  	s0 =	rddreg [dreg:$0x0];
	s2 =	stileid.u32  }
0xfc: {  	s1 =	rddreg [dreg:$0x1];
	p0 =	sne.s32 s2, $0x0  }
0xfd: {  	s3 =	rddreg [dreg:$0x2];
	[bflag:$0x3] =	sbarrier.arrive $0xFFFF;
	s2 =	simm.s32 @!p0 $0x1C0B  }
0xfe: {  	[timem:s3], [sflag:s2] =	dma.local @!p0 [hbm:s0], s1  }
0xff: {  	s0 =	simm.s32 @!p0 $0xB  }
0x100: {  	_ =	swait.ge @!p0 [sflag:s0], s1  }
0x101: {  	s1 =	ssub.s32 @!p0 $0x0, s1;
	[sflag:s0] =	ssyncset.done @!p0 $0x0  }
0x102: {  	[sflag:s0] =	ssyncadd.s32 @!p0 s1  }
0x103: {  	[bflag:$0x3] =	sbarrier.arrive $0xFFFF  }
0x104: {  	_ =	shalt  }

</sc_bundles>
